<compile_context>
chip_gen: v7x
topology: tpu7x:2x2x1
jax: 0.10.2.dev20260603
libtpu: 0.0.44.dev20260713+nightly
codegen_flags: <defaults>
</compile_context>

<pallas_src>
import functools

import jax
import jax.numpy as jnp
from jax import lax
from jax.experimental import pallas as pl
from jax.experimental.pallas import tpu as pltpu
from jax.experimental.pallas import tpu_sc as plsc

N = 10000
NP = 10240
E = 160000
DF = 256
DE = 128

NC = 2
NS = 16
EPT = E // (NC * NS)
CHUNK = 128
NFULL = EPT // CHUNK
TAIL = EPT - NFULL * CHUNK
RPT = NP // NS

NPAIR = (NFULL - 1) // 2


def _sc_mesh():
    return plsc.VectorSubcoreMesh(core_axis_name="c", subcore_axis_name="s")


def _agg_pass(c, s, gs_ref, gd_ref, tab_ref, agg_sp,
              idx_s0, idx_d0, idx_s1, idx_d1, idx_s8, idx_d8,
              rows0, rows1, rows8, sem0, sem1):
    eb = c * (E // NC) + s * EPT

    def load_idx(i, idx_s, idx_d):
        b = pl.multiple_of(eb + i * CHUNK, 8)
        pltpu.sync_copy(gs_ref.at[pl.ds(b, CHUNK)], idx_s)
        pltpu.sync_copy(gd_ref.at[pl.ds(b, CHUNK)], idx_d)

    load_idx(0, idx_s0, idx_d0)
    pltpu.async_copy(tab_ref.at[idx_s0], rows0, sem0)

    def pair(k, carry):
        load_idx(2 * k + 1, idx_s1, idx_d1)
        pltpu.async_copy(tab_ref.at[idx_s1], rows1, sem1)
        pltpu.make_async_copy(tab_ref.at[idx_s0], rows0, sem0).wait()
        pltpu.sync_copy(rows0, agg_sp.at[idx_d0], add=True)
        load_idx(2 * k + 2, idx_s0, idx_d0)
        pltpu.async_copy(tab_ref.at[idx_s0], rows0, sem0)
        pltpu.make_async_copy(tab_ref.at[idx_s1], rows1, sem1).wait()
        pltpu.sync_copy(rows1, agg_sp.at[idx_d1], add=True)
        return carry

    lax.fori_loop(0, NPAIR, pair, 0)
    pltpu.make_async_copy(tab_ref.at[idx_s0], rows0, sem0).wait()
    pltpu.sync_copy(rows0, agg_sp.at[idx_d0], add=True)
    b = pl.multiple_of(eb + NFULL * CHUNK, 8)
    pltpu.sync_copy(gs_ref.at[pl.ds(b, TAIL)], idx_s8)
    pltpu.sync_copy(gd_ref.at[pl.ds(b, TAIL)], idx_d8)
    pltpu.async_copy(tab_ref.at[idx_s8], rows8, sem0).wait()
    pltpu.sync_copy(rows8, agg_sp.at[idx_d8], add=True)


def _sc_aggregate_layer1(xa, xb, gs, gd, z128, ones):
    @functools.partial(
        pl.kernel,
        out_type=[
            jax.ShapeDtypeStruct((NC, 2, NP, 128), jnp.float32),
            jax.ShapeDtypeStruct((NC, NP, 128), jnp.float32),
        ],
        mesh=_sc_mesh(),
        scratch_types=(
            [pltpu.VMEM((CHUNK,), jnp.int32)] * 4
            + [pltpu.VMEM((TAIL,), jnp.int32)] * 2
            + [pltpu.VMEM((CHUNK, 128), jnp.float32)] * 2
            + [pltpu.VMEM((TAIL, 128), jnp.float32)]
            + [pltpu.VMEM_SHARED((NP, 128), jnp.float32)]
            + [pltpu.SemaphoreType.DMA] * 2
        ),
    )
    def k(xa_ref, xb_ref, gs_ref, gd_ref, z128_ref, ones_ref,
          agg_out, deg_out,
          idx_s0, idx_d0, idx_s1, idx_d1, idx_s8, idx_d8,
          rows0, rows1, rows8, agg_sp, sem0, sem1):
        c = lax.axis_index("c")
        s = lax.axis_index("s")
        rb = s * RPT
        eb = c * (E // NC) + s * EPT
        for p in range(3):
            pltpu.sync_copy(z128_ref.at[pl.ds(rb, RPT)], agg_sp.at[pl.ds(rb, RPT)])
            plsc.subcore_barrier()
            if p < 2:
                tab = xa_ref if p == 0 else xb_ref
                _agg_pass(c, s, gs_ref, gd_ref, tab, agg_sp,
                          idx_s0, idx_d0, idx_s1, idx_d1, idx_s8, idx_d8,
                          rows0, rows1, rows8, sem0, sem1)
            else:
                pltpu.sync_copy(ones_ref, rows0)
                pltpu.sync_copy(ones_ref.at[pl.ds(0, TAIL)], rows8)

                def body(i, carry):
                    b = pl.multiple_of(eb + 2 * i * CHUNK, 8)
                    b2 = pl.multiple_of(eb + (2 * i + 1) * CHUNK, 8)
                    pltpu.sync_copy(gd_ref.at[pl.ds(b, CHUNK)], idx_d0)
                    pltpu.sync_copy(gd_ref.at[pl.ds(b2, CHUNK)], idx_d1)
                    pltpu.sync_copy(rows0, agg_sp.at[idx_d0], add=True)
                    pltpu.sync_copy(rows0, agg_sp.at[idx_d1], add=True)
                    return carry

                lax.fori_loop(0, NFULL // 2, body, 0)
                b = pl.multiple_of(eb + (NFULL - 1) * CHUNK, 8)
                pltpu.sync_copy(gd_ref.at[pl.ds(b, CHUNK)], idx_d0)
                pltpu.sync_copy(rows0, agg_sp.at[idx_d0], add=True)
                b = pl.multiple_of(eb + NFULL * CHUNK, 8)
                pltpu.sync_copy(gd_ref.at[pl.ds(b, TAIL)], idx_d8)
                pltpu.sync_copy(rows8, agg_sp.at[idx_d8], add=True)
            plsc.subcore_barrier()
            if p < 2:
                pltpu.sync_copy(agg_sp.at[pl.ds(rb, RPT)],
                                agg_out.at[c, p, pl.ds(rb, RPT)])
            else:
                pltpu.sync_copy(agg_sp.at[pl.ds(rb, RPT)],
                                deg_out.at[c, pl.ds(rb, RPT)])

    return k(xa, xb, gs, gd, z128, ones)


def _sc_aggregate_layer2(y2, gs, gd, z128):
    @functools.partial(
        pl.kernel,
        out_type=[jax.ShapeDtypeStruct((NC, NP, 128), jnp.float32)],
        mesh=_sc_mesh(),
        scratch_types=(
            [pltpu.VMEM((CHUNK,), jnp.int32)] * 4
            + [pltpu.VMEM((TAIL,), jnp.int32)] * 2
            + [pltpu.VMEM((CHUNK, 128), jnp.float32)] * 2
            + [pltpu.VMEM((TAIL, 128), jnp.float32)]
            + [pltpu.VMEM_SHARED((NP, 128), jnp.float32)]
            + [pltpu.SemaphoreType.DMA] * 2
        ),
    )
    def k(y2_ref, gs_ref, gd_ref, z128_ref, agg_out,
          idx_s0, idx_d0, idx_s1, idx_d1, idx_s8, idx_d8,
          rows0, rows1, rows8, agg_sp, sem0, sem1):
        c = lax.axis_index("c")
        s = lax.axis_index("s")
        rb = s * RPT
        pltpu.sync_copy(z128_ref.at[pl.ds(rb, RPT)], agg_sp.at[pl.ds(rb, RPT)])
        plsc.subcore_barrier()
        _agg_pass(c, s, gs_ref, gd_ref, y2_ref, agg_sp,
                  idx_s0, idx_d0, idx_s1, idx_d1, idx_s8, idx_d8,
                  rows0, rows1, rows8, sem0, sem1)
        plsc.subcore_barrier()
        pltpu.sync_copy(agg_sp.at[pl.ds(rb, RPT)],
                        agg_out.at[c, pl.ds(rb, RPT)])

    (agg,) = k(y2, gs, gd, z128)
    return agg


def _tc_layer12(x, agg, deg, Ws1, Wn1, b1, Ws2, Wn2, b2):
    BM = 400
    grid = (N // BM,)
    f32 = jnp.float32

    def body(x_r, a00_r, a10_r, a01_r, a11_r, d0_r, d1_r,
             ws1_r, wn1_r, b1_r, ws2_r, wn2_r, b2_r, y2_r, s2_r):
        deg_b = (d0_r[...] + d1_r[...]).reshape(BM, 128)
        inv = 1.0 / jnp.maximum(deg_b[:, 0:1], 1.0)
        hn_l = (a00_r[...] + a10_r[...]).reshape(BM, 128) * inv
        hn_r = (a01_r[...] + a11_r[...]).reshape(BM, 128) * inv
        h = jnp.dot(x_r[...], ws1_r[...], preferred_element_type=f32)
        h = h + jnp.dot(hn_l, wn1_r[0:128, :], preferred_element_type=f32)
        h = h + jnp.dot(hn_r, wn1_r[128:256, :], preferred_element_type=f32)
        h = jnp.tanh(h + b1_r[...])
        y2_r[...] = jnp.dot(h, wn2_r[...], preferred_element_type=f32)
        s2_r[...] = jnp.dot(h, ws2_r[...], preferred_element_type=f32) + b2_r[...]

    row = lambda i: (i, 0)
    fixed = lambda i: (0, 0)
    agg_spec = lambda cc, pp: pl.BlockSpec((1, 1, BM, 128),
                                           lambda i: (cc, pp, i, 0))
    deg_spec = lambda cc: pl.BlockSpec((1, BM, 128), lambda i: (cc, i, 0))
    return pl.pallas_call(
        body,
        grid=grid,
        in_specs=[
            pl.BlockSpec((BM, DF), row),
            agg_spec(0, 0),
            agg_spec(1, 0),
            agg_spec(0, 1),
            agg_spec(1, 1),
            deg_spec(0),
            deg_spec(1),
            pl.BlockSpec((DF, DF), fixed),
            pl.BlockSpec((DF, DF), fixed),
            pl.BlockSpec((1, DF), fixed),
            pl.BlockSpec((DF, DE), fixed),
            pl.BlockSpec((DF, DE), fixed),
            pl.BlockSpec((1, DE), fixed),
        ],
        out_specs=[
            pl.BlockSpec((BM, DE), row),
            pl.BlockSpec((BM, DE), row),
        ],
        out_shape=[
            jax.ShapeDtypeStruct((N, DE), f32),
            jax.ShapeDtypeStruct((N, DE), f32),
        ],
    )(x, agg, agg, agg, agg, deg, deg, Ws1, Wn1, b1, Ws2, Wn2, b2)


def _tc_final(s2, agg2, deg):
    BM = 1000
    grid = (N // BM,)

    def body(s2_r, q0_r, q1_r, d0_r, d1_r, o_r):
        deg_b = (d0_r[...] + d1_r[...]).reshape(BM, 128)
        inv = 1.0 / jnp.maximum(deg_b[:, 0:1], 1.0)
        q = (q0_r[...] + q1_r[...]).reshape(BM, DE)
        o_r[...] = s2_r[...] + q * inv

    row = lambda i: (i, 0)
    part_spec = lambda cc: pl.BlockSpec((1, BM, 128), lambda i: (cc, i, 0))
    return pl.pallas_call(
        body,
        grid=grid,
        in_specs=[
            pl.BlockSpec((BM, DE), row),
            part_spec(0),
            part_spec(1),
            part_spec(0),
            part_spec(1),
        ],
        out_specs=pl.BlockSpec((BM, DE), row),
        out_shape=jax.ShapeDtypeStruct((N, DE), jnp.float32),
    )(s2, agg2, agg2, deg, deg)


def kernel(g, inputs, W_self1, W_neigh1, b1, W_self2, W_neigh2, b2):
    f32 = jnp.float32
    xa = inputs[:, :128]
    xb = inputs[:, 128:]
    gs = g[0]
    gd = g[1]
    z128 = jnp.zeros((NP, 128), f32)
    ones = jnp.ones((CHUNK, 128), f32)

    agg, deg = _sc_aggregate_layer1(xa, xb, gs, gd, z128, ones)
    y2, s2 = _tc_layer12(
        inputs, agg, deg,
        W_self1, W_neigh1, b1.reshape(1, DF),
        W_self2, W_neigh2, b2.reshape(1, DE),
    )
    agg2 = _sc_aggregate_layer2(y2, gs, gd, z128)
    return _tc_final(s2, agg2, deg)

# --- scband reference (transcript-rebuilt; emitter-appended) ---
"""Pipeline reference for scband-gcn-953482739909 (READ-ONLY COPY).

The authoritative reference and input builder live on the scoring server;
editing this copy changes nothing except your own understanding.
"""

import jax, jax.numpy as jnp
import numpy as np

N_NODES = 10000
N_EDGES = 160000
D_FEAT = 256
D_HID = 256
D_EMB = 128


def _glorot(key, shape):
    fan_in, fan_out = shape[0], shape[1]
    limit = np.sqrt(6.0 / (fan_in + fan_out))
    return jax.random.uniform(key, shape, dtype=jnp.float32, minval=-limit, maxval=limit)


def setup_inputs(seed: int = 0) -> dict:
    key = jax.random.key(seed)
    ks = jax.random.split(key, 9)
    g = jax.random.randint(ks[0], (2, N_EDGES), 0, N_NODES, dtype=jnp.int32)
    inputs = jax.random.normal(ks[1], (N_NODES, D_FEAT), dtype=jnp.float32)
    W_self1 = _glorot(ks[2], (D_FEAT, D_HID))
    W_neigh1 = _glorot(ks[3], (D_FEAT, D_HID))
    b1 = jnp.zeros((D_HID,), dtype=jnp.float32)
    W_self2 = _glorot(ks[4], (D_HID, D_EMB))
    W_neigh2 = _glorot(ks[5], (D_HID, D_EMB))
    b2 = jnp.zeros((D_EMB,), dtype=jnp.float32)
    return {"g": g, "inputs": inputs, "W_self1": W_self1, "W_neigh1": W_neigh1, "b1": b1, "W_self2": W_self2, "W_neigh2": W_neigh2, "b2": b2}


def _sage_conv_mean(x, edge_index, W_self, W_neigh, b):
    # DGL SAGEConv with aggregator_type='mean':
    #   h_neigh[i] = mean_{j in N(i)} x[j]; out = fc_self(x) + fc_neigh(h_neigh) + bias
    src = edge_index[0]
    dst = edge_index[1]
    msg = jnp.take(x, src, axis=0)                                   # gather  [E, d]
    agg = jax.ops.segment_sum(msg, dst, num_segments=N_NODES)        # scatter-add [N, d]
    deg = jax.ops.segment_sum(jnp.ones((edge_index.shape[1], 1), x.dtype), dst, num_segments=N_NODES)
    h_neigh = agg / jnp.clip(deg, 1.0, None)                         # mean aggregation
    return x @ W_self + h_neigh @ W_neigh + b


def reference(g, inputs, W_self1, W_neigh1, b1, W_self2, W_neigh2, b2):
    h = _sage_conv_mean(inputs, g, W_self1, W_neigh1, b1)
    h = jnp.tanh(h)
    h = _sage_conv_mean(h, g, W_self2, W_neigh2, b2)
    return h

if __name__ == "__main__":
    import jax
    _d = setup_inputs()
    print(jax.jit(kernel)(*tuple(_d.values())))

</pallas_src>

<mosaic_0001>
#map = affine_map<(d0, d1) -> (0, 0)>
#map1 = affine_map<(d0, d1) -> (0)>
#map2 = affine_map<(d0, d1) -> (0, 0, 0, 0)>
#map3 = affine_map<(d0, d1) -> (0, 0, 0)>
module attributes {stable_mosaic.version = 14 : i64} {
  func.func @k(%arg0: i32, %arg1: i32, %arg2: memref<10000x128xf32, #tpu.memory_space<hbm>>, %arg3: memref<10000x128xf32, #tpu.memory_space<hbm>>, %arg4: memref<160000xi32, #tpu.memory_space<hbm>>, %arg5: memref<160000xi32, #tpu.memory_space<hbm>>, %arg6: memref<10240x128xf32, #tpu.memory_space<hbm>>, %arg7: memref<128x128xf32, #tpu.memory_space<hbm>>, %arg8: memref<2x2x10240x128xf32, #tpu.memory_space<hbm>>, %arg9: memref<2x10240x128xf32, #tpu.memory_space<hbm>>, %arg10: memref<128xi32, #tpu.memory_space<vmem>>, %arg11: memref<128xi32, #tpu.memory_space<vmem>>, %arg12: memref<128xi32, #tpu.memory_space<vmem>>, %arg13: memref<128xi32, #tpu.memory_space<vmem>>, %arg14: memref<8xi32, #tpu.memory_space<vmem>>, %arg15: memref<8xi32, #tpu.memory_space<vmem>>, %arg16: memref<128x128xf32, #tpu.memory_space<vmem>>, %arg17: memref<128x128xf32, #tpu.memory_space<vmem>>, %arg18: memref<8x128xf32, #tpu.memory_space<vmem>>, %arg19: memref<10240x128xf32, #tpu.memory_space<vmem_shared>>, %arg20: memref<!tpu.dma_semaphore, #tpu.memory_space<semaphore_mem>>, %arg21: memref<!tpu.dma_semaphore, #tpu.memory_space<semaphore_mem>>) attributes {dimension_semantics = [#tpu.dimension_semantics<core_parallel>, #tpu.dimension_semantics<subcore_parallel>], iteration_bounds = array<i64: 2, 16>, scalar_prefetch = 0 : i64, scratch_operands = 12 : i64, tpu.core_type = #tpu.core_type<sc_vector_subcore>, window_params = [{transform_indices = #map}, {transform_indices = #map}, {transform_indices = #map1}, {transform_indices = #map1}, {transform_indices = #map}, {transform_indices = #map}, {transform_indices = #map2}, {transform_indices = #map3}]} {
    %mul3A = arith.constant 640 : i32
    %mul3A_0 = arith.muli %arg1, %mul3A : i32
    %mul3A_1 = arith.constant 80000 : i32
    %mul3A_2 = arith.muli %arg0, %mul3A_1 : i32
    %mul3A_3 = arith.constant 5000 : i32
    %mul3A_4 = arith.muli %arg1, %mul3A_3 : i32
    %add3A = arith.addi %mul3A_2, %mul3A_4 : i32
    "tpu.region"() ({
      %run_scoped3A_77 = tpu.sem_alloc : memref<!tpu.dma_semaphore, #tpu.memory_space<semaphore_mem>>
      %dma_start3A_78 = arith.constant 0 : i32
      %dma_start3A_79 = tpu.memref_slice %arg19[%mul3A_0, %dma_start3A_78] : memref<10240x128xf32, #tpu.memory_space<vmem_shared>> -> memref<640x128xf32, #tpu.memory_space<vmem_shared>>
      %dma_start3A_80 = arith.constant 0 : i32
      %dma_start3A_81 = tpu.memref_slice %arg6[%mul3A_0, %dma_start3A_80] : memref<10240x128xf32, #tpu.memory_space<hbm>> -> memref<640x128xf32, #tpu.memory_space<hbm>>
      tpu.enqueue_dma source(%dma_start3A_81 : memref<640x128xf32, #tpu.memory_space<hbm>>) target(%dma_start3A_79 : memref<640x128xf32, #tpu.memory_space<vmem_shared>>) target_semaphore(%run_scoped3A_77 : memref<!tpu.dma_semaphore, #tpu.memory_space<semaphore_mem>>)
      %dma_wait3A_82 = arith.constant 0 : i32
      %dma_wait3A_83 = tpu.memref_slice %arg19[%mul3A_0, %dma_wait3A_82] : memref<10240x128xf32, #tpu.memory_space<vmem_shared>> -> memref<640x128xf32, #tpu.memory_space<vmem_shared>>
      %dma_wait3A_84 = arith.constant 0 : i32
      %dma_wait3A_85 = tpu.memref_slice %arg6[%mul3A_0, %dma_wait3A_84] : memref<10240x128xf32, #tpu.memory_space<hbm>> -> memref<640x128xf32, #tpu.memory_space<hbm>>
      tpu.wait_dma2 semaphore(%run_scoped3A_77 : memref<!tpu.dma_semaphore, #tpu.memory_space<semaphore_mem>>) src(%dma_wait3A_85 : memref<640x128xf32, #tpu.memory_space<hbm>>) dst(%dma_wait3A_83 : memref<640x128xf32, #tpu.memory_space<vmem_shared>>)
      tpu.yield
    }) : () -> ()
    %barrier3A = arith.constant 0 : index
    tpu.barrier barrier_id(%barrier3A)
    %mul3A_5 = arith.constant 80000 : i32
    %mul3A_6 = arith.muli %arg0, %mul3A_5 : i32
    %mul3A_7 = arith.constant 5000 : i32
    %mul3A_8 = arith.muli %arg1, %mul3A_7 : i32
    %add3A_9 = arith.addi %mul3A_6, %mul3A_8 : i32
    %add3A_10 = arith.constant 0 : i32
    %add3A_11 = arith.addi %add3A_9, %add3A_10 : i32
    %multiple_of3A = tpu.assume_multiple %add3A_11, 8 : i32
    "tpu.region"() ({
      %run_scoped3A_77 = tpu.sem_alloc : memref<!tpu.dma_semaphore, #tpu.memory_space<semaphore_mem>>
      %dma_start3A_78 = tpu.memref_slice %arg4[%multiple_of3A] : memref<160000xi32, #tpu.memory_space<hbm>> -> memref<128xi32, #tpu.memory_space<hbm>>
      %dma_start3A_79 = tpu.memref_slice %arg4[%multiple_of3A] : memref<160000xi32, #tpu.memory_space<hbm>> -> memref<128xi32, #tpu.memory_space<hbm>>
      tpu.enqueue_dma source(%dma_start3A_79 : memref<128xi32, #tpu.memory_space<hbm>>) target(%arg10 : memref<128xi32, #tpu.memory_space<vmem>>) target_semaphore(%run_scoped3A_77 : memref<!tpu.dma_semaphore, #tpu.memory_space<semaphore_mem>>)
      %dma_wait3A_80 = tpu.memref_slice %arg4[%multiple_of3A] : memref<160000xi32, #tpu.memory_space<hbm>> -> memref<128xi32, #tpu.memory_space<hbm>>
      %dma_wait3A_81 = tpu.memref_slice %arg4[%multiple_of3A] : memref<160000xi32, #tpu.memory_space<hbm>> -> memref<128xi32, #tpu.memory_space<hbm>>
      tpu.wait_dma2 semaphore(%run_scoped3A_77 : memref<!tpu.dma_semaphore, #tpu.memory_space<semaphore_mem>>) src(%dma_wait3A_81 : memref<128xi32, #tpu.memory_space<hbm>>) dst(%arg10 : memref<128xi32, #tpu.memory_space<vmem>>)
      tpu.yield
    }) : () -> ()
    "tpu.region"() ({
      %run_scoped3A_77 = tpu.sem_alloc : memref<!tpu.dma_semaphore, #tpu.memory_space<semaphore_mem>>
      %dma_start3A_78 = tpu.memref_slice %arg5[%multiple_of3A] : memref<160000xi32, #tpu.memory_space<hbm>> -> memref<128xi32, #tpu.memory_space<hbm>>
      %dma_start3A_79 = tpu.memref_slice %arg5[%multiple_of3A] : memref<160000xi32, #tpu.memory_space<hbm>> -> memref<128xi32, #tpu.memory_space<hbm>>
      tpu.enqueue_dma source(%dma_start3A_79 : memref<128xi32, #tpu.memory_space<hbm>>) target(%arg11 : memref<128xi32, #tpu.memory_space<vmem>>) target_semaphore(%run_scoped3A_77 : memref<!tpu.dma_semaphore, #tpu.memory_space<semaphore_mem>>)
      %dma_wait3A_80 = tpu.memref_slice %arg5[%multiple_of3A] : memref<160000xi32, #tpu.memory_space<hbm>> -> memref<128xi32, #tpu.memory_space<hbm>>
      %dma_wait3A_81 = tpu.memref_slice %arg5[%multiple_of3A] : memref<160000xi32, #tpu.memory_space<hbm>> -> memref<128xi32, #tpu.memory_space<hbm>>
      tpu.wait_dma2 semaphore(%run_scoped3A_77 : memref<!tpu.dma_semaphore, #tpu.memory_space<semaphore_mem>>) src(%dma_wait3A_81 : memref<128xi32, #tpu.memory_space<hbm>>) dst(%arg11 : memref<128xi32, #tpu.memory_space<vmem>>)
      tpu.yield
    }) : () -> ()
    %dma_start3A = arith.constant 0 : i32
    %dma_start3A_12 = arith.constant 0 : i32
    %dma_start3A_13 = tpu.memref_slice %arg2[%dma_start3A, %dma_start3A_12] : memref<10000x128xf32, #tpu.memory_space<hbm>> -> memref<10000x128xf32, #tpu.memory_space<hbm>>
    tpu.enqueue_indirect_dma source(%dma_start3A_13 : memref<10000x128xf32, #tpu.memory_space<hbm>>) target(%arg16 : memref<128x128xf32, #tpu.memory_space<vmem>>) offsets(%arg10 : memref<128xi32, #tpu.memory_space<vmem>>) semaphore(%arg20 : memref<!tpu.dma_semaphore, #tpu.memory_space<semaphore_mem>>)
    %scan3A = arith.constant 0 : i32
    %scan3A_14 = arith.constant 0 : i32
    %scan3A_15 = arith.constant 19 : i32
    %scan3A_16 = arith.addi %scan3A_14, %scan3A_15 : i32
    %scan3A_17 = arith.constant 1 : i32
    scf.for %scan3A_77 = %scan3A_14 to %scan3A_16 step %scan3A_17  : i32 {
      %mul3A_78 = arith.constant 2 : i32
      %mul3A_79 = arith.muli %mul3A_78, %scan3A_77 : i32
      %add3A_80 = arith.constant 1 : i32
      %add3A_81 = arith.addi %mul3A_79, %add3A_80 : i32
      %mul3A_82 = arith.constant 128 : i32
      %mul3A_83 = arith.muli %add3A_81, %mul3A_82 : i32
      %add3A_84 = arith.addi %add3A_9, %mul3A_83 : i32
      %multiple_of3A_85 = tpu.assume_multiple %add3A_84, 8 : i32
      "tpu.region"() ({
        %run_scoped3A_106 = tpu.sem_alloc : memref<!tpu.dma_semaphore, #tpu.memory_space<semaphore_mem>>
        %dma_start3A_107 = tpu.memref_slice %arg4[%multiple_of3A_85] : memref<160000xi32, #tpu.memory_space<hbm>> -> memref<128xi32, #tpu.memory_space<hbm>>
        %dma_start3A_108 = tpu.memref_slice %arg4[%multiple_of3A_85] : memref<160000xi32, #tpu.memory_space<hbm>> -> memref<128xi32, #tpu.memory_space<hbm>>
        tpu.enqueue_dma source(%dma_start3A_108 : memref<128xi32, #tpu.memory_space<hbm>>) target(%arg12 : memref<128xi32, #tpu.memory_space<vmem>>) target_semaphore(%run_scoped3A_106 : memref<!tpu.dma_semaphore, #tpu.memory_space<semaphore_mem>>)
        %dma_wait3A_109 = tpu.memref_slice %arg4[%multiple_of3A_85] : memref<160000xi32, #tpu.memory_space<hbm>> -> memref<128xi32, #tpu.memory_space<hbm>>
        %dma_wait3A_110 = tpu.memref_slice %arg4[%multiple_of3A_85] : memref<160000xi32, #tpu.memory_space<hbm>> -> memref<128xi32, #tpu.memory_space<hbm>>
        tpu.wait_dma2 semaphore(%run_scoped3A_106 : memref<!tpu.dma_semaphore, #tpu.memory_space<semaphore_mem>>) src(%dma_wait3A_110 : memref<128xi32, #tpu.memory_space<hbm>>) dst(%arg12 : memref<128xi32, #tpu.memory_space<vmem>>)
        tpu.yield
      }) : () -> ()
      "tpu.region"() ({
        %run_scoped3A_106 = tpu.sem_alloc : memref<!tpu.dma_semaphore, #tpu.memory_space<semaphore_mem>>
        %dma_start3A_107 = tpu.memref_slice %arg5[%multiple_of3A_85] : memref<160000xi32, #tpu.memory_space<hbm>> -> memref<128xi32, #tpu.memory_space<hbm>>
        %dma_start3A_108 = tpu.memref_slice %arg5[%multiple_of3A_85] : memref<160000xi32, #tpu.memory_space<hbm>> -> memref<128xi32, #tpu.memory_space<hbm>>
        tpu.enqueue_dma source(%dma_start3A_108 : memref<128xi32, #tpu.memory_space<hbm>>) target(%arg13 : memref<128xi32, #tpu.memory_space<vmem>>) target_semaphore(%run_scoped3A_106 : memref<!tpu.dma_semaphore, #tpu.memory_space<semaphore_mem>>)
        %dma_wait3A_109 = tpu.memref_slice %arg5[%multiple_of3A_85] : memref<160000xi32, #tpu.memory_space<hbm>> -> memref<128xi32, #tpu.memory_space<hbm>>
        %dma_wait3A_110 = tpu.memref_slice %arg5[%multiple_of3A_85] : memref<160000xi32, #tpu.memory_space<hbm>> -> memref<128xi32, #tpu.memory_space<hbm>>
        tpu.wait_dma2 semaphore(%run_scoped3A_106 : memref<!tpu.dma_semaphore, #tpu.memory_space<semaphore_mem>>) src(%dma_wait3A_110 : memref<128xi32, #tpu.memory_space<hbm>>) dst(%arg13 : memref<128xi32, #tpu.memory_space<vmem>>)
        tpu.yield
      }) : () -> ()
      %dma_start3A_86 = arith.constant 0 : i32
      %dma_start3A_87 = arith.constant 0 : i32
      %dma_start3A_88 = tpu.memref_slice %arg2[%dma_start3A_86, %dma_start3A_87] : memref<10000x128xf32, #tpu.memory_space<hbm>> -> memref<10000x128xf32, #tpu.memory_space<hbm>>
      tpu.enqueue_indirect_dma source(%dma_start3A_88 : memref<10000x128xf32, #tpu.memory_space<hbm>>) target(%arg17 : memref<128x128xf32, #tpu.memory_space<vmem>>) offsets(%arg12 : memref<128xi32, #tpu.memory_space<vmem>>) semaphore(%arg21 : memref<!tpu.dma_semaphore, #tpu.memory_space<semaphore_mem>>)
      %dma_wait3A_89 = arith.constant 0 : i32
      %dma_wait3A_90 = arith.constant 0 : i32
      %dma_wait3A_91 = tpu.memref_slice %arg2[%dma_wait3A_89, %dma_wait3A_90] : memref<10000x128xf32, #tpu.memory_space<hbm>> -> memref<10000x128xf32, #tpu.memory_space<hbm>>
      tpu.wait_indirect_dma semaphore(%arg20 : memref<!tpu.dma_semaphore, #tpu.memory_space<semaphore_mem>>) src(%dma_wait3A_91 : memref<10000x128xf32, #tpu.memory_space<hbm>>) dst(%arg16 : memref<128x128xf32, #tpu.memory_space<vmem>>)
      "tpu.region"() ({
        %run_scoped3A_106 = tpu.sem_alloc : memref<!tpu.dma_semaphore, #tpu.memory_space<semaphore_mem>>
        %dma_start3A_107 = arith.constant 0 : i32
        %dma_start3A_108 = arith.constant 0 : i32
        %dma_start3A_109 = tpu.memref_slice %arg19[%dma_start3A_107, %dma_start3A_108] : memref<10240x128xf32, #tpu.memory_space<vmem_shared>> -> memref<10240x128xf32, #tpu.memory_space<vmem_shared>>
        tpu.enqueue_indirect_dma source(%arg16 : memref<128x128xf32, #tpu.memory_space<vmem>>) target(%dma_start3A_109 : memref<10240x128xf32, #tpu.memory_space<vmem_shared>>) offsets(%arg11 : memref<128xi32, #tpu.memory_space<vmem>>) semaphore(%run_scoped3A_106 : memref<!tpu.dma_semaphore, #tpu.memory_space<semaphore_mem>>) {add = true}
        %dma_wait3A_110 = arith.constant 0 : i32
        %dma_wait3A_111 = arith.constant 0 : i32
        %dma_wait3A_112 = tpu.memref_slice %arg19[%dma_wait3A_110, %dma_wait3A_111] : memref<10240x128xf32, #tpu.memory_space<vmem_shared>> -> memref<10240x128xf32, #tpu.memory_space<vmem_shared>>
        tpu.wait_indirect_dma semaphore(%run_scoped3A_106 : memref<!tpu.dma_semaphore, #tpu.memory_space<semaphore_mem>>) src(%arg16 : memref<128x128xf32, #tpu.memory_space<vmem>>) dst(%dma_wait3A_112 : memref<10240x128xf32, #tpu.memory_space<vmem_shared>>)
        tpu.yield
      }) : () -> ()
      %mul3A_92 = arith.constant 2 : i32
      %mul3A_93 = arith.muli %mul3A_92, %scan3A_77 : i32
      %add3A_94 = arith.constant 2 : i32
      %add3A_95 = arith.addi %mul3A_93, %add3A_94 : i32
      %mul3A_96 = arith.constant 128 : i32
      %mul3A_97 = arith.muli %add3A_95, %mul3A_96 : i32
      %add3A_98 = arith.addi %add3A_9, %mul3A_97 : i32
      %multiple_of3A_99 = tpu.assume_multiple %add3A_98, 8 : i32
      "tpu.region"() ({
        %run_scoped3A_106 = tpu.sem_alloc : memref<!tpu.dma_semaphore, #tpu.memory_space<semaphore_mem>>
        %dma_start3A_107 = tpu.memref_slice %arg4[%multiple_of3A_99] : memref<160000xi32, #tpu.memory_space<hbm>> -> memref<128xi32, #tpu.memory_space<hbm>>
        %dma_start3A_108 = tpu.memref_slice %arg4[%multiple_of3A_99] : memref<160000xi32, #tpu.memory_space<hbm>> -> memref<128xi32, #tpu.memory_space<hbm>>
        tpu.enqueue_dma source(%dma_start3A_108 : memref<128xi32, #tpu.memory_space<hbm>>) target(%arg10 : memref<128xi32, #tpu.memory_space<vmem>>) target_semaphore(%run_scoped3A_106 : memref<!tpu.dma_semaphore, #tpu.memory_space<semaphore_mem>>)
        %dma_wait3A_109 = tpu.memref_slice %arg4[%multiple_of3A_99] : memref<160000xi32, #tpu.memory_space<hbm>> -> memref<128xi32, #tpu.memory_space<hbm>>
        %dma_wait3A_110 = tpu.memref_slice %arg4[%multiple_of3A_99] : memref<160000xi32, #tpu.memory_space<hbm>> -> memref<128xi32, #tpu.memory_space<hbm>>
        tpu.wait_dma2 semaphore(%run_scoped3A_106 : memref<!tpu.dma_semaphore, #tpu.memory_space<semaphore_mem>>) src(%dma_wait3A_110 : memref<128xi32, #tpu.memory_space<hbm>>) dst(%arg10 : memref<128xi32, #tpu.memory_space<vmem>>)
        tpu.yield
      }) : () -> ()
      "tpu.region"() ({
        %run_scoped3A_106 = tpu.sem_alloc : memref<!tpu.dma_semaphore, #tpu.memory_space<semaphore_mem>>
        %dma_start3A_107 = tpu.memref_slice %arg5[%multiple_of3A_99] : memref<160000xi32, #tpu.memory_space<hbm>> -> memref<128xi32, #tpu.memory_space<hbm>>
        %dma_start3A_108 = tpu.memref_slice %arg5[%multiple_of3A_99] : memref<160000xi32, #tpu.memory_space<hbm>> -> memref<128xi32, #tpu.memory_space<hbm>>
        tpu.enqueue_dma source(%dma_start3A_108 : memref<128xi32, #tpu.memory_space<hbm>>) target(%arg11 : memref<128xi32, #tpu.memory_space<vmem>>) target_semaphore(%run_scoped3A_106 : memref<!tpu.dma_semaphore, #tpu.memory_space<semaphore_mem>>)
        %dma_wait3A_109 = tpu.memref_slice %arg5[%multiple_of3A_99] : memref<160000xi32, #tpu.memory_space<hbm>> -> memref<128xi32, #tpu.memory_space<hbm>>
        %dma_wait3A_110 = tpu.memref_slice %arg5[%multiple_of3A_99] : memref<160000xi32, #tpu.memory_space<hbm>> -> memref<128xi32, #tpu.memory_space<hbm>>
        tpu.wait_dma2 semaphore(%run_scoped3A_106 : memref<!tpu.dma_semaphore, #tpu.memory_space<semaphore_mem>>) src(%dma_wait3A_110 : memref<128xi32, #tpu.memory_space<hbm>>) dst(%arg11 : memref<128xi32, #tpu.memory_space<vmem>>)
        tpu.yield
      }) : () -> ()
      %dma_start3A_100 = arith.constant 0 : i32
      %dma_start3A_101 = arith.constant 0 : i32
      %dma_start3A_102 = tpu.memref_slice %arg2[%dma_start3A_100, %dma_start3A_101] : memref<10000x128xf32, #tpu.memory_space<hbm>> -> memref<10000x128xf32, #tpu.memory_space<hbm>>
      tpu.enqueue_indirect_dma source(%dma_start3A_102 : memref<10000x128xf32, #tpu.memory_space<hbm>>) target(%arg16 : memref<128x128xf32, #tpu.memory_space<vmem>>) offsets(%arg10 : memref<128xi32, #tpu.memory_space<vmem>>) semaphore(%arg20 : memref<!tpu.dma_semaphore, #tpu.memory_space<semaphore_mem>>)
      %dma_wait3A_103 = arith.constant 0 : i32
      %dma_wait3A_104 = arith.constant 0 : i32
      %dma_wait3A_105 = tpu.memref_slice %arg2[%dma_wait3A_103, %dma_wait3A_104] : memref<10000x128xf32, #tpu.memory_space<hbm>> -> memref<10000x128xf32, #tpu.memory_space<hbm>>
      tpu.wait_indirect_dma semaphore(%arg21 : memref<!tpu.dma_semaphore, #tpu.memory_space<semaphore_mem>>) src(%dma_wait3A_105 : memref<10000x128xf32, #tpu.memory_space<hbm>>) dst(%arg17 : memref<128x128xf32, #tpu.memory_space<vmem>>)
      "tpu.region"() ({
        %run_scoped3A_106 = tpu.sem_alloc : memref<!tpu.dma_semaphore, #tpu.memory_space<semaphore_mem>>
        %dma_start3A_107 = arith.constant 0 : i32
        %dma_start3A_108 = arith.constant 0 : i32
        %dma_start3A_109 = tpu.memref_slice %arg19[%dma_start3A_107, %dma_start3A_108] : memref<10240x128xf32, #tpu.memory_space<vmem_shared>> -> memref<10240x128xf32, #tpu.memory_space<vmem_shared>>
        tpu.enqueue_indirect_dma source(%arg17 : memref<128x128xf32, #tpu.memory_space<vmem>>) target(%dma_start3A_109 : memref<10240x128xf32, #tpu.memory_space<vmem_shared>>) offsets(%arg13 : memref<128xi32, #tpu.memory_space<vmem>>) semaphore(%run_scoped3A_106 : memref<!tpu.dma_semaphore, #tpu.memory_space<semaphore_mem>>) {add = true}
        %dma_wait3A_110 = arith.constant 0 : i32
        %dma_wait3A_111 = arith.constant 0 : i32
        %dma_wait3A_112 = tpu.memref_slice %arg19[%dma_wait3A_110, %dma_wait3A_111] : memref<10240x128xf32, #tpu.memory_space<vmem_shared>> -> memref<10240x128xf32, #tpu.memory_space<vmem_shared>>
        tpu.wait_indirect_dma semaphore(%run_scoped3A_106 : memref<!tpu.dma_semaphore, #tpu.memory_space<semaphore_mem>>) src(%arg17 : memref<128x128xf32, #tpu.memory_space<vmem>>) dst(%dma_wait3A_112 : memref<10240x128xf32, #tpu.memory_space<vmem_shared>>)
        tpu.yield
      }) : () -> ()
    }
    %scan3A_18 = arith.constant 19 : i32
    %dma_wait3A = arith.constant 0 : i32
    %dma_wait3A_19 = arith.constant 0 : i32
    %dma_wait3A_20 = tpu.memref_slice %arg2[%dma_wait3A, %dma_wait3A_19] : memref<10000x128xf32, #tpu.memory_space<hbm>> -> memref<10000x128xf32, #tpu.memory_space<hbm>>
    tpu.wait_indirect_dma semaphore(%arg20 : memref<!tpu.dma_semaphore, #tpu.memory_space<semaphore_mem>>) src(%dma_wait3A_20 : memref<10000x128xf32, #tpu.memory_space<hbm>>) dst(%arg16 : memref<128x128xf32, #tpu.memory_space<vmem>>)
    "tpu.region"() ({
      %run_scoped3A_77 = tpu.sem_alloc : memref<!tpu.dma_semaphore, #tpu.memory_space<semaphore_mem>>
      %dma_start3A_78 = arith.constant 0 : i32
      %dma_start3A_79 = arith.constant 0 : i32
      %dma_start3A_80 = tpu.memref_slice %arg19[%dma_start3A_78, %dma_start3A_79] : memref<10240x128xf32, #tpu.memory_space<vmem_shared>> -> memref<10240x128xf32, #tpu.memory_space<vmem_shared>>
      tpu.enqueue_indirect_dma source(%arg16 : memref<128x128xf32, #tpu.memory_space<vmem>>) target(%dma_start3A_80 : memref<10240x128xf32, #tpu.memory_space<vmem_shared>>) offsets(%arg11 : memref<128xi32, #tpu.memory_space<vmem>>) semaphore(%run_scoped3A_77 : memref<!tpu.dma_semaphore, #tpu.memory_space<semaphore_mem>>) {add = true}
      %dma_wait3A_81 = arith.constant 0 : i32
      %dma_wait3A_82 = arith.constant 0 : i32
      %dma_wait3A_83 = tpu.memref_slice %arg19[%dma_wait3A_81, %dma_wait3A_82] : memref<10240x128xf32, #tpu.memory_space<vmem_shared>> -> memref<10240x128xf32, #tpu.memory_space<vmem_shared>>
      tpu.wait_indirect_dma semaphore(%run_scoped3A_77 : memref<!tpu.dma_semaphore, #tpu.memory_space<semaphore_mem>>) src(%arg16 : memref<128x128xf32, #tpu.memory_space<vmem>>) dst(%dma_wait3A_83 : memref<10240x128xf32, #tpu.memory_space<vmem_shared>>)
      tpu.yield
    }) : () -> ()
    %add3A_21 = arith.constant 4992 : i32
    %add3A_22 = arith.addi %add3A_9, %add3A_21 : i32
    %multiple_of3A_23 = tpu.assume_multiple %add3A_22, 8 : i32
    "tpu.region"() ({
      %run_scoped3A_77 = tpu.sem_alloc : memref<!tpu.dma_semaphore, #tpu.memory_space<semaphore_mem>>
      %dma_start3A_78 = tpu.memref_slice %arg4[%multiple_of3A_23] : memref<160000xi32, #tpu.memory_space<hbm>> -> memref<8xi32, #tpu.memory_space<hbm>>
      %dma_start3A_79 = tpu.memref_slice %arg4[%multiple_of3A_23] : memref<160000xi32, #tpu.memory_space<hbm>> -> memref<8xi32, #tpu.memory_space<hbm>>
      tpu.enqueue_dma source(%dma_start3A_79 : memref<8xi32, #tpu.memory_space<hbm>>) target(%arg14 : memref<8xi32, #tpu.memory_space<vmem>>) target_semaphore(%run_scoped3A_77 : memref<!tpu.dma_semaphore, #tpu.memory_space<semaphore_mem>>)
      %dma_wait3A_80 = tpu.memref_slice %arg4[%multiple_of3A_23] : memref<160000xi32, #tpu.memory_space<hbm>> -> memref<8xi32, #tpu.memory_space<hbm>>
      %dma_wait3A_81 = tpu.memref_slice %arg4[%multiple_of3A_23] : memref<160000xi32, #tpu.memory_space<hbm>> -> memref<8xi32, #tpu.memory_space<hbm>>
      tpu.wait_dma2 semaphore(%run_scoped3A_77 : memref<!tpu.dma_semaphore, #tpu.memory_space<semaphore_mem>>) src(%dma_wait3A_81 : memref<8xi32, #tpu.memory_space<hbm>>) dst(%arg14 : memref<8xi32, #tpu.memory_space<vmem>>)
      tpu.yield
    }) : () -> ()
    "tpu.region"() ({
      %run_scoped3A_77 = tpu.sem_alloc : memref<!tpu.dma_semaphore, #tpu.memory_space<semaphore_mem>>
      %dma_start3A_78 = tpu.memref_slice %arg5[%multiple_of3A_23] : memref<160000xi32, #tpu.memory_space<hbm>> -> memref<8xi32, #tpu.memory_space<hbm>>
      %dma_start3A_79 = tpu.memref_slice %arg5[%multiple_of3A_23] : memref<160000xi32, #tpu.memory_space<hbm>> -> memref<8xi32, #tpu.memory_space<hbm>>
      tpu.enqueue_dma source(%dma_start3A_79 : memref<8xi32, #tpu.memory_space<hbm>>) target(%arg15 : memref<8xi32, #tpu.memory_space<vmem>>) target_semaphore(%run_scoped3A_77 : memref<!tpu.dma_semaphore, #tpu.memory_space<semaphore_mem>>)
      %dma_wait3A_80 = tpu.memref_slice %arg5[%multiple_of3A_23] : memref<160000xi32, #tpu.memory_space<hbm>> -> memref<8xi32, #tpu.memory_space<hbm>>
      %dma_wait3A_81 = tpu.memref_slice %arg5[%multiple_of3A_23] : memref<160000xi32, #tpu.memory_space<hbm>> -> memref<8xi32, #tpu.memory_space<hbm>>
      tpu.wait_dma2 semaphore(%run_scoped3A_77 : memref<!tpu.dma_semaphore, #tpu.memory_space<semaphore_mem>>) src(%dma_wait3A_81 : memref<8xi32, #tpu.memory_space<hbm>>) dst(%arg15 : memref<8xi32, #tpu.memory_space<vmem>>)
      tpu.yield
    }) : () -> ()
    %dma_start3A_24 = arith.constant 0 : i32
    %dma_start3A_25 = arith.constant 0 : i32
    %dma_start3A_26 = tpu.memref_slice %arg2[%dma_start3A_24, %dma_start3A_25] : memref<10000x128xf32, #tpu.memory_space<hbm>> -> memref<10000x128xf32, #tpu.memory_space<hbm>>
    tpu.enqueue_indirect_dma source(%dma_start3A_26 : memref<10000x128xf32, #tpu.memory_space<hbm>>) target(%arg18 : memref<8x128xf32, #tpu.memory_space<vmem>>) offsets(%arg14 : memref<8xi32, #tpu.memory_space<vmem>>) semaphore(%arg20 : memref<!tpu.dma_semaphore, #tpu.memory_space<semaphore_mem>>)
    %dma_wait3A_27 = arith.constant 0 : i32
    %dma_wait3A_28 = arith.constant 0 : i32
    %dma_wait3A_29 = tpu.memref_slice %arg2[%dma_wait3A_27, %dma_wait3A_28] : memref<10000x128xf32, #tpu.memory_space<hbm>> -> memref<10000x128xf32, #tpu.memory_space<hbm>>
    tpu.wait_indirect_dma semaphore(%arg20 : memref<!tpu.dma_semaphore, #tpu.memory_space<semaphore_mem>>) src(%dma_wait3A_29 : memref<10000x128xf32, #tpu.memory_space<hbm>>) dst(%arg18 : memref<8x128xf32, #tpu.memory_space<vmem>>)
    "tpu.region"() ({
      %run_scoped3A_77 = tpu.sem_alloc : memref<!tpu.dma_semaphore, #tpu.memory_space<semaphore_mem>>
      %dma_start3A_78 = arith.constant 0 : i32
      %dma_start3A_79 = arith.constant 0 : i32
      %dma_start3A_80 = tpu.memref_slice %arg19[%dma_start3A_78, %dma_start3A_79] : memref<10240x128xf32, #tpu.memory_space<vmem_shared>> -> memref<10240x128xf32, #tpu.memory_space<vmem_shared>>
      tpu.enqueue_indirect_dma source(%arg18 : memref<8x128xf32, #tpu.memory_space<vmem>>) target(%dma_start3A_80 : memref<10240x128xf32, #tpu.memory_space<vmem_shared>>) offsets(%arg15 : memref<8xi32, #tpu.memory_space<vmem>>) semaphore(%run_scoped3A_77 : memref<!tpu.dma_semaphore, #tpu.memory_space<semaphore_mem>>) {add = true}
      %dma_wait3A_81 = arith.constant 0 : i32
      %dma_wait3A_82 = arith.constant 0 : i32
      %dma_wait3A_83 = tpu.memref_slice %arg19[%dma_wait3A_81, %dma_wait3A_82] : memref<10240x128xf32, #tpu.memory_space<vmem_shared>> -> memref<10240x128xf32, #tpu.memory_space<vmem_shared>>
      tpu.wait_indirect_dma semaphore(%run_scoped3A_77 : memref<!tpu.dma_semaphore, #tpu.memory_space<semaphore_mem>>) src(%arg18 : memref<8x128xf32, #tpu.memory_space<vmem>>) dst(%dma_wait3A_83 : memref<10240x128xf32, #tpu.memory_space<vmem_shared>>)
      tpu.yield
    }) : () -> ()
    %barrier3A_30 = arith.constant 0 : index
    tpu.barrier barrier_id(%barrier3A_30)
    %run_scoped3A = arith.constant 0 : i32
    "tpu.region"() ({
      %run_scoped3A_77 = tpu.sem_alloc : memref<!tpu.dma_semaphore, #tpu.memory_space<semaphore_mem>>
      %dma_start3A_78 = arith.constant 0 : i32
      %dma_start3A_79 = tpu.memref_slice %arg8[%arg0, %run_scoped3A, %mul3A_0, %dma_start3A_78] : memref<2x2x10240x128xf32, #tpu.memory_space<hbm>> -> memref<1x1x640x128xf32, #tpu.memory_space<hbm>>
      %dma_start3A_80 = tpu.memref_squeeze %dma_start3A_79 : memref<1x1x640x128xf32, #tpu.memory_space<hbm>> -> memref<640x128xf32, #tpu.memory_space<hbm>>
      %dma_start3A_81 = arith.constant 0 : i32
      %dma_start3A_82 = tpu.memref_slice %arg19[%mul3A_0, %dma_start3A_81] : memref<10240x128xf32, #tpu.memory_space<vmem_shared>> -> memref<640x128xf32, #tpu.memory_space<vmem_shared>>
      tpu.enqueue_dma source(%dma_start3A_82 : memref<640x128xf32, #tpu.memory_space<vmem_shared>>) target(%dma_start3A_80 : memref<640x128xf32, #tpu.memory_space<hbm>>) target_semaphore(%run_scoped3A_77 : memref<!tpu.dma_semaphore, #tpu.memory_space<semaphore_mem>>)
      %dma_wait3A_83 = arith.constant 0 : i32
      %dma_wait3A_84 = tpu.memref_slice %arg8[%arg0, %run_scoped3A, %mul3A_0, %dma_wait3A_83] : memref<2x2x10240x128xf32, #tpu.memory_space<hbm>> -> memref<1x1x640x128xf32, #tpu.memory_space<hbm>>
      %dma_wait3A_85 = tpu.memref_squeeze %dma_wait3A_84 : memref<1x1x640x128xf32, #tpu.memory_space<hbm>> -> memref<640x128xf32, #tpu.memory_space<hbm>>
      %dma_wait3A_86 = arith.constant 0 : i32
      %dma_wait3A_87 = tpu.memref_slice %arg19[%mul3A_0, %dma_wait3A_86] : memref<10240x128xf32, #tpu.memory_space<vmem_shared>> -> memref<640x128xf32, #tpu.memory_space<vmem_shared>>
      tpu.wait_dma2 semaphore(%run_scoped3A_77 : memref<!tpu.dma_semaphore, #tpu.memory_space<semaphore_mem>>) src(%dma_wait3A_87 : memref<640x128xf32, #tpu.memory_space<vmem_shared>>) dst(%dma_wait3A_85 : memref<640x128xf32, #tpu.memory_space<hbm>>)
      tpu.yield
    }) : () -> ()
    "tpu.region"() ({
      %run_scoped3A_77 = tpu.sem_alloc : memref<!tpu.dma_semaphore, #tpu.memory_space<semaphore_mem>>
      %dma_start3A_78 = arith.constant 0 : i32
      %dma_start3A_79 = tpu.memref_slice %arg19[%mul3A_0, %dma_start3A_78] : memref<10240x128xf32, #tpu.memory_space<vmem_shared>> -> memref<640x128xf32, #tpu.memory_space<vmem_shared>>
      %dma_start3A_80 = arith.constant 0 : i32
      %dma_start3A_81 = tpu.memref_slice %arg6[%mul3A_0, %dma_start3A_80] : memref<10240x128xf32, #tpu.memory_space<hbm>> -> memref<640x128xf32, #tpu.memory_space<hbm>>
      tpu.enqueue_dma source(%dma_start3A_81 : memref<640x128xf32, #tpu.memory_space<hbm>>) target(%dma_start3A_79 : memref<640x128xf32, #tpu.memory_space<vmem_shared>>) target_semaphore(%run_scoped3A_77 : memref<!tpu.dma_semaphore, #tpu.memory_space<semaphore_mem>>)
      %dma_wait3A_82 = arith.constant 0 : i32
      %dma_wait3A_83 = tpu.memref_slice %arg19[%mul3A_0, %dma_wait3A_82] : memref<10240x128xf32, #tpu.memory_space<vmem_shared>> -> memref<640x128xf32, #tpu.memory_space<vmem_shared>>
      %dma_wait3A_84 = arith.constant 0 : i32
      %dma_wait3A_85 = tpu.memref_slice %arg6[%mul3A_0, %dma_wait3A_84] : memref<10240x128xf32, #tpu.memory_space<hbm>> -> memref<640x128xf32, #tpu.memory_space<hbm>>
      tpu.wait_dma2 semaphore(%run_scoped3A_77 : memref<!tpu.dma_semaphore, #tpu.memory_space<semaphore_mem>>) src(%dma_wait3A_85 : memref<640x128xf32, #tpu.memory_space<hbm>>) dst(%dma_wait3A_83 : memref<640x128xf32, #tpu.memory_space<vmem_shared>>)
      tpu.yield
    }) : () -> ()
    %barrier3A_31 = arith.constant 0 : index
    tpu.barrier barrier_id(%barrier3A_31)
    %mul3A_32 = arith.constant 80000 : i32
    %mul3A_33 = arith.muli %arg0, %mul3A_32 : i32
    %mul3A_34 = arith.constant 5000 : i32
    %mul3A_35 = arith.muli %arg1, %mul3A_34 : i32
    %add3A_36 = arith.addi %mul3A_33, %mul3A_35 : i32
    %add3A_37 = arith.constant 0 : i32
    %add3A_38 = arith.addi %add3A_36, %add3A_37 : i32
    %multiple_of3A_39 = tpu.assume_multiple %add3A_38, 8 : i32
    "tpu.region"() ({
      %run_scoped3A_77 = tpu.sem_alloc : memref<!tpu.dma_semaphore, #tpu.memory_space<semaphore_mem>>
      %dma_start3A_78 = tpu.memref_slice %arg4[%multiple_of3A_39] : memref<160000xi32, #tpu.memory_space<hbm>> -> memref<128xi32, #tpu.memory_space<hbm>>
      %dma_start3A_79 = tpu.memref_slice %arg4[%multiple_of3A_39] : memref<160000xi32, #tpu.memory_space<hbm>> -> memref<128xi32, #tpu.memory_space<hbm>>
      tpu.enqueue_dma source(%dma_start3A_79 : memref<128xi32, #tpu.memory_space<hbm>>) target(%arg10 : memref<128xi32, #tpu.memory_space<vmem>>) target_semaphore(%run_scoped3A_77 : memref<!tpu.dma_semaphore, #tpu.memory_space<semaphore_mem>>)
      %dma_wait3A_80 = tpu.memref_slice %arg4[%multiple_of3A_39] : memref<160000xi32, #tpu.memory_space<hbm>> -> memref<128xi32, #tpu.memory_space<hbm>>
      %dma_wait3A_81 = tpu.memref_slice %arg4[%multiple_of3A_39] : memref<160000xi32, #tpu.memory_space<hbm>> -> memref<128xi32, #tpu.memory_space<hbm>>
      tpu.wait_dma2 semaphore(%run_scoped3A_77 : memref<!tpu.dma_semaphore, #tpu.memory_space<semaphore_mem>>) src(%dma_wait3A_81 : memref<128xi32, #tpu.memory_space<hbm>>) dst(%arg10 : memref<128xi32, #tpu.memory_space<vmem>>)
      tpu.yield
    }) : () -> ()
    "tpu.region"() ({
      %run_scoped3A_77 = tpu.sem_alloc : memref<!tpu.dma_semaphore, #tpu.memory_space<semaphore_mem>>
      %dma_start3A_78 = tpu.memref_slice %arg5[%multiple_of3A_39] : memref<160000xi32, #tpu.memory_space<hbm>> -> memref<128xi32, #tpu.memory_space<hbm>>
      %dma_start3A_79 = tpu.memref_slice %arg5[%multiple_of3A_39] : memref<160000xi32, #tpu.memory_space<hbm>> -> memref<128xi32, #tpu.memory_space<hbm>>
      tpu.enqueue_dma source(%dma_start3A_79 : memref<128xi32, #tpu.memory_space<hbm>>) target(%arg11 : memref<128xi32, #tpu.memory_space<vmem>>) target_semaphore(%run_scoped3A_77 : memref<!tpu.dma_semaphore, #tpu.memory_space<semaphore_mem>>)
      %dma_wait3A_80 = tpu.memref_slice %arg5[%multiple_of3A_39] : memref<160000xi32, #tpu.memory_space<hbm>> -> memref<128xi32, #tpu.memory_space<hbm>>
      %dma_wait3A_81 = tpu.memref_slice %arg5[%multiple_of3A_39] : memref<160000xi32, #tpu.memory_space<hbm>> -> memref<128xi32, #tpu.memory_space<hbm>>
      tpu.wait_dma2 semaphore(%run_scoped3A_77 : memref<!tpu.dma_semaphore, #tpu.memory_space<semaphore_mem>>) src(%dma_wait3A_81 : memref<128xi32, #tpu.memory_space<hbm>>) dst(%arg11 : memref<128xi32, #tpu.memory_space<vmem>>)
      tpu.yield
    }) : () -> ()
    %dma_start3A_40 = arith.constant 0 : i32
    %dma_start3A_41 = arith.constant 0 : i32
    %dma_start3A_42 = tpu.memref_slice %arg3[%dma_start3A_40, %dma_start3A_41] : memref<10000x128xf32, #tpu.memory_space<hbm>> -> memref<10000x128xf32, #tpu.memory_space<hbm>>
    tpu.enqueue_indirect_dma source(%dma_start3A_42 : memref<10000x128xf32, #tpu.memory_space<hbm>>) target(%arg16 : memref<128x128xf32, #tpu.memory_space<vmem>>) offsets(%arg10 : memref<128xi32, #tpu.memory_space<vmem>>) semaphore(%arg20 : memref<!tpu.dma_semaphore, #tpu.memory_space<semaphore_mem>>)
    %scan3A_43 = arith.constant 0 : i32
    %scan3A_44 = arith.constant 0 : i32
    %scan3A_45 = arith.constant 19 : i32
    %scan3A_46 = arith.addi %scan3A_44, %scan3A_45 : i32
    %scan3A_47 = arith.constant 1 : i32
    scf.for %scan3A_77 = %scan3A_44 to %scan3A_46 step %scan3A_47  : i32 {
      %mul3A_78 = arith.constant 2 : i32
      %mul3A_79 = arith.muli %mul3A_78, %scan3A_77 : i32
      %add3A_80 = arith.constant 1 : i32
      %add3A_81 = arith.addi %mul3A_79, %add3A_80 : i32
      %mul3A_82 = arith.constant 128 : i32
      %mul3A_83 = arith.muli %add3A_81, %mul3A_82 : i32
      %add3A_84 = arith.addi %add3A_36, %mul3A_83 : i32
      %multiple_of3A_85 = tpu.assume_multiple %add3A_84, 8 : i32
      "tpu.region"() ({
        %run_scoped3A_106 = tpu.sem_alloc : memref<!tpu.dma_semaphore, #tpu.memory_space<semaphore_mem>>
        %dma_start3A_107 = tpu.memref_slice %arg4[%multiple_of3A_85] : memref<160000xi32, #tpu.memory_space<hbm>> -> memref<128xi32, #tpu.memory_space<hbm>>
        %dma_start3A_108 = tpu.memref_slice %arg4[%multiple_of3A_85] : memref<160000xi32, #tpu.memory_space<hbm>> -> memref<128xi32, #tpu.memory_space<hbm>>
        tpu.enqueue_dma source(%dma_start3A_108 : memref<128xi32, #tpu.memory_space<hbm>>) target(%arg12 : memref<128xi32, #tpu.memory_space<vmem>>) target_semaphore(%run_scoped3A_106 : memref<!tpu.dma_semaphore, #tpu.memory_space<semaphore_mem>>)
        %dma_wait3A_109 = tpu.memref_slice %arg4[%multiple_of3A_85] : memref<160000xi32, #tpu.memory_space<hbm>> -> memref<128xi32, #tpu.memory_space<hbm>>
        %dma_wait3A_110 = tpu.memref_slice %arg4[%multiple_of3A_85] : memref<160000xi32, #tpu.memory_space<hbm>> -> memref<128xi32, #tpu.memory_space<hbm>>
        tpu.wait_dma2 semaphore(%run_scoped3A_106 : memref<!tpu.dma_semaphore, #tpu.memory_space<semaphore_mem>>) src(%dma_wait3A_110 : memref<128xi32, #tpu.memory_space<hbm>>) dst(%arg12 : memref<128xi32, #tpu.memory_space<vmem>>)
        tpu.yield
      }) : () -> ()
      "tpu.region"() ({
        %run_scoped3A_106 = tpu.sem_alloc : memref<!tpu.dma_semaphore, #tpu.memory_space<semaphore_mem>>
        %dma_start3A_107 = tpu.memref_slice %arg5[%multiple_of3A_85] : memref<160000xi32, #tpu.memory_space<hbm>> -> memref<128xi32, #tpu.memory_space<hbm>>
        %dma_start3A_108 = tpu.memref_slice %arg5[%multiple_of3A_85] : memref<160000xi32, #tpu.memory_space<hbm>> -> memref<128xi32, #tpu.memory_space<hbm>>
        tpu.enqueue_dma source(%dma_start3A_108 : memref<128xi32, #tpu.memory_space<hbm>>) target(%arg13 : memref<128xi32, #tpu.memory_space<vmem>>) target_semaphore(%run_scoped3A_106 : memref<!tpu.dma_semaphore, #tpu.memory_space<semaphore_mem>>)
        %dma_wait3A_109 = tpu.memref_slice %arg5[%multiple_of3A_85] : memref<160000xi32, #tpu.memory_space<hbm>> -> memref<128xi32, #tpu.memory_space<hbm>>
        %dma_wait3A_110 = tpu.memref_slice %arg5[%multiple_of3A_85] : memref<160000xi32, #tpu.memory_space<hbm>> -> memref<128xi32, #tpu.memory_space<hbm>>
        tpu.wait_dma2 semaphore(%run_scoped3A_106 : memref<!tpu.dma_semaphore, #tpu.memory_space<semaphore_mem>>) src(%dma_wait3A_110 : memref<128xi32, #tpu.memory_space<hbm>>) dst(%arg13 : memref<128xi32, #tpu.memory_space<vmem>>)
        tpu.yield
      }) : () -> ()
      %dma_start3A_86 = arith.constant 0 : i32
      %dma_start3A_87 = arith.constant 0 : i32
      %dma_start3A_88 = tpu.memref_slice %arg3[%dma_start3A_86, %dma_start3A_87] : memref<10000x128xf32, #tpu.memory_space<hbm>> -> memref<10000x128xf32, #tpu.memory_space<hbm>>
      tpu.enqueue_indirect_dma source(%dma_start3A_88 : memref<10000x128xf32, #tpu.memory_space<hbm>>) target(%arg17 : memref<128x128xf32, #tpu.memory_space<vmem>>) offsets(%arg12 : memref<128xi32, #tpu.memory_space<vmem>>) semaphore(%arg21 : memref<!tpu.dma_semaphore, #tpu.memory_space<semaphore_mem>>)
      %dma_wait3A_89 = arith.constant 0 : i32
      %dma_wait3A_90 = arith.constant 0 : i32
      %dma_wait3A_91 = tpu.memref_slice %arg3[%dma_wait3A_89, %dma_wait3A_90] : memref<10000x128xf32, #tpu.memory_space<hbm>> -> memref<10000x128xf32, #tpu.memory_space<hbm>>
      tpu.wait_indirect_dma semaphore(%arg20 : memref<!tpu.dma_semaphore, #tpu.memory_space<semaphore_mem>>) src(%dma_wait3A_91 : memref<10000x128xf32, #tpu.memory_space<hbm>>) dst(%arg16 : memref<128x128xf32, #tpu.memory_space<vmem>>)
      "tpu.region"() ({
        %run_scoped3A_106 = tpu.sem_alloc : memref<!tpu.dma_semaphore, #tpu.memory_space<semaphore_mem>>
        %dma_start3A_107 = arith.constant 0 : i32
        %dma_start3A_108 = arith.constant 0 : i32
        %dma_start3A_109 = tpu.memref_slice %arg19[%dma_start3A_107, %dma_start3A_108] : memref<10240x128xf32, #tpu.memory_space<vmem_shared>> -> memref<10240x128xf32, #tpu.memory_space<vmem_shared>>
        tpu.enqueue_indirect_dma source(%arg16 : memref<128x128xf32, #tpu.memory_space<vmem>>) target(%dma_start3A_109 : memref<10240x128xf32, #tpu.memory_space<vmem_shared>>) offsets(%arg11 : memref<128xi32, #tpu.memory_space<vmem>>) semaphore(%run_scoped3A_106 : memref<!tpu.dma_semaphore, #tpu.memory_space<semaphore_mem>>) {add = true}
        %dma_wait3A_110 = arith.constant 0 : i32
        %dma_wait3A_111 = arith.constant 0 : i32
        %dma_wait3A_112 = tpu.memref_slice %arg19[%dma_wait3A_110, %dma_wait3A_111] : memref<10240x128xf32, #tpu.memory_space<vmem_shared>> -> memref<10240x128xf32, #tpu.memory_space<vmem_shared>>
        tpu.wait_indirect_dma semaphore(%run_scoped3A_106 : memref<!tpu.dma_semaphore, #tpu.memory_space<semaphore_mem>>) src(%arg16 : memref<128x128xf32, #tpu.memory_space<vmem>>) dst(%dma_wait3A_112 : memref<10240x128xf32, #tpu.memory_space<vmem_shared>>)
        tpu.yield
      }) : () -> ()
      %mul3A_92 = arith.constant 2 : i32
      %mul3A_93 = arith.muli %mul3A_92, %scan3A_77 : i32
      %add3A_94 = arith.constant 2 : i32
      %add3A_95 = arith.addi %mul3A_93, %add3A_94 : i32
      %mul3A_96 = arith.constant 128 : i32
      %mul3A_97 = arith.muli %add3A_95, %mul3A_96 : i32
      %add3A_98 = arith.addi %add3A_36, %mul3A_97 : i32
      %multiple_of3A_99 = tpu.assume_multiple %add3A_98, 8 : i32
      "tpu.region"() ({
        %run_scoped3A_106 = tpu.sem_alloc : memref<!tpu.dma_semaphore, #tpu.memory_space<semaphore_mem>>
        %dma_start3A_107 = tpu.memref_slice %arg4[%multiple_of3A_99] : memref<160000xi32, #tpu.memory_space<hbm>> -> memref<128xi32, #tpu.memory_space<hbm>>
        %dma_start3A_108 = tpu.memref_slice %arg4[%multiple_of3A_99] : memref<160000xi32, #tpu.memory_space<hbm>> -> memref<128xi32, #tpu.memory_space<hbm>>
        tpu.enqueue_dma source(%dma_start3A_108 : memref<128xi32, #tpu.memory_space<hbm>>) target(%arg10 : memref<128xi32, #tpu.memory_space<vmem>>) target_semaphore(%run_scoped3A_106 : memref<!tpu.dma_semaphore, #tpu.memory_space<semaphore_mem>>)
        %dma_wait3A_109 = tpu.memref_slice %arg4[%multiple_of3A_99] : memref<160000xi32, #tpu.memory_space<hbm>> -> memref<128xi32, #tpu.memory_space<hbm>>
        %dma_wait3A_110 = tpu.memref_slice %arg4[%multiple_of3A_99] : memref<160000xi32, #tpu.memory_space<hbm>> -> memref<128xi32, #tpu.memory_space<hbm>>
        tpu.wait_dma2 semaphore(%run_scoped3A_106 : memref<!tpu.dma_semaphore, #tpu.memory_space<semaphore_mem>>) src(%dma_wait3A_110 : memref<128xi32, #tpu.memory_space<hbm>>) dst(%arg10 : memref<128xi32, #tpu.memory_space<vmem>>)
        tpu.yield
      }) : () -> ()
      "tpu.region"() ({
        %run_scoped3A_106 = tpu.sem_alloc : memref<!tpu.dma_semaphore, #tpu.memory_space<semaphore_mem>>
        %dma_start3A_107 = tpu.memref_slice %arg5[%multiple_of3A_99] : memref<160000xi32, #tpu.memory_space<hbm>> -> memref<128xi32, #tpu.memory_space<hbm>>
        %dma_start3A_108 = tpu.memref_slice %arg5[%multiple_of3A_99] : memref<160000xi32, #tpu.memory_space<hbm>> -> memref<128xi32, #tpu.memory_space<hbm>>
        tpu.enqueue_dma source(%dma_start3A_108 : memref<128xi32, #tpu.memory_space<hbm>>) target(%arg11 : memref<128xi32, #tpu.memory_space<vmem>>) target_semaphore(%run_scoped3A_106 : memref<!tpu.dma_semaphore, #tpu.memory_space<semaphore_mem>>)
        %dma_wait3A_109 = tpu.memref_slice %arg5[%multiple_of3A_99] : memref<160000xi32, #tpu.memory_space<hbm>> -> memref<128xi32, #tpu.memory_space<hbm>>
        %dma_wait3A_110 = tpu.memref_slice %arg5[%multiple_of3A_99] : memref<160000xi32, #tpu.memory_space<hbm>> -> memref<128xi32, #tpu.memory_space<hbm>>
        tpu.wait_dma2 semaphore(%run_scoped3A_106 : memref<!tpu.dma_semaphore, #tpu.memory_space<semaphore_mem>>) src(%dma_wait3A_110 : memref<128xi32, #tpu.memory_space<hbm>>) dst(%arg11 : memref<128xi32, #tpu.memory_space<vmem>>)
        tpu.yield
      }) : () -> ()
      %dma_start3A_100 = arith.constant 0 : i32
      %dma_start3A_101 = arith.constant 0 : i32
      %dma_start3A_102 = tpu.memref_slice %arg3[%dma_start3A_100, %dma_start3A_101] : memref<10000x128xf32, #tpu.memory_space<hbm>> -> memref<10000x128xf32, #tpu.memory_space<hbm>>
      tpu.enqueue_indirect_dma source(%dma_start3A_102 : memref<10000x128xf32, #tpu.memory_space<hbm>>) target(%arg16 : memref<128x128xf32, #tpu.memory_space<vmem>>) offsets(%arg10 : memref<128xi32, #tpu.memory_space<vmem>>) semaphore(%arg20 : memref<!tpu.dma_semaphore, #tpu.memory_space<semaphore_mem>>)
      %dma_wait3A_103 = arith.constant 0 : i32
      %dma_wait3A_104 = arith.constant 0 : i32
      %dma_wait3A_105 = tpu.memref_slice %arg3[%dma_wait3A_103, %dma_wait3A_104] : memref<10000x128xf32, #tpu.memory_space<hbm>> -> memref<10000x128xf32, #tpu.memory_space<hbm>>
      tpu.wait_indirect_dma semaphore(%arg21 : memref<!tpu.dma_semaphore, #tpu.memory_space<semaphore_mem>>) src(%dma_wait3A_105 : memref<10000x128xf32, #tpu.memory_space<hbm>>) dst(%arg17 : memref<128x128xf32, #tpu.memory_space<vmem>>)
      "tpu.region"() ({
        %run_scoped3A_106 = tpu.sem_alloc : memref<!tpu.dma_semaphore, #tpu.memory_space<semaphore_mem>>
        %dma_start3A_107 = arith.constant 0 : i32
        %dma_start3A_108 = arith.constant 0 : i32
        %dma_start3A_109 = tpu.memref_slice %arg19[%dma_start3A_107, %dma_start3A_108] : memref<10240x128xf32, #tpu.memory_space<vmem_shared>> -> memref<10240x128xf32, #tpu.memory_space<vmem_shared>>
        tpu.enqueue_indirect_dma source(%arg17 : memref<128x128xf32, #tpu.memory_space<vmem>>) target(%dma_start3A_109 : memref<10240x128xf32, #tpu.memory_space<vmem_shared>>) offsets(%arg13 : memref<128xi32, #tpu.memory_space<vmem>>) semaphore(%run_scoped3A_106 : memref<!tpu.dma_semaphore, #tpu.memory_space<semaphore_mem>>) {add = true}
        %dma_wait3A_110 = arith.constant 0 : i32
        %dma_wait3A_111 = arith.constant 0 : i32
        %dma_wait3A_112 = tpu.memref_slice %arg19[%dma_wait3A_110, %dma_wait3A_111] : memref<10240x128xf32, #tpu.memory_space<vmem_shared>> -> memref<10240x128xf32, #tpu.memory_space<vmem_shared>>
        tpu.wait_indirect_dma semaphore(%run_scoped3A_106 : memref<!tpu.dma_semaphore, #tpu.memory_space<semaphore_mem>>) src(%arg17 : memref<128x128xf32, #tpu.memory_space<vmem>>) dst(%dma_wait3A_112 : memref<10240x128xf32, #tpu.memory_space<vmem_shared>>)
        tpu.yield
      }) : () -> ()
    }
    %scan3A_48 = arith.constant 19 : i32
    %dma_wait3A_49 = arith.constant 0 : i32
    %dma_wait3A_50 = arith.constant 0 : i32
    %dma_wait3A_51 = tpu.memref_slice %arg3[%dma_wait3A_49, %dma_wait3A_50] : memref<10000x128xf32, #tpu.memory_space<hbm>> -> memref<10000x128xf32, #tpu.memory_space<hbm>>
    tpu.wait_indirect_dma semaphore(%arg20 : memref<!tpu.dma_semaphore, #tpu.memory_space<semaphore_mem>>) src(%dma_wait3A_51 : memref<10000x128xf32, #tpu.memory_space<hbm>>) dst(%arg16 : memref<128x128xf32, #tpu.memory_space<vmem>>)
    "tpu.region"() ({
      %run_scoped3A_77 = tpu.sem_alloc : memref<!tpu.dma_semaphore, #tpu.memory_space<semaphore_mem>>
      %dma_start3A_78 = arith.constant 0 : i32
      %dma_start3A_79 = arith.constant 0 : i32
      %dma_start3A_80 = tpu.memref_slice %arg19[%dma_start3A_78, %dma_start3A_79] : memref<10240x128xf32, #tpu.memory_space<vmem_shared>> -> memref<10240x128xf32, #tpu.memory_space<vmem_shared>>
      tpu.enqueue_indirect_dma source(%arg16 : memref<128x128xf32, #tpu.memory_space<vmem>>) target(%dma_start3A_80 : memref<10240x128xf32, #tpu.memory_space<vmem_shared>>) offsets(%arg11 : memref<128xi32, #tpu.memory_space<vmem>>) semaphore(%run_scoped3A_77 : memref<!tpu.dma_semaphore, #tpu.memory_space<semaphore_mem>>) {add = true}
      %dma_wait3A_81 = arith.constant 0 : i32
      %dma_wait3A_82 = arith.constant 0 : i32
      %dma_wait3A_83 = tpu.memref_slice %arg19[%dma_wait3A_81, %dma_wait3A_82] : memref<10240x128xf32, #tpu.memory_space<vmem_shared>> -> memref<10240x128xf32, #tpu.memory_space<vmem_shared>>
      tpu.wait_indirect_dma semaphore(%run_scoped3A_77 : memref<!tpu.dma_semaphore, #tpu.memory_space<semaphore_mem>>) src(%arg16 : memref<128x128xf32, #tpu.memory_space<vmem>>) dst(%dma_wait3A_83 : memref<10240x128xf32, #tpu.memory_space<vmem_shared>>)
      tpu.yield
    }) : () -> ()
    %add3A_52 = arith.constant 4992 : i32
    %add3A_53 = arith.addi %add3A_36, %add3A_52 : i32
    %multiple_of3A_54 = tpu.assume_multiple %add3A_53, 8 : i32
    "tpu.region"() ({
      %run_scoped3A_77 = tpu.sem_alloc : memref<!tpu.dma_semaphore, #tpu.memory_space<semaphore_mem>>
      %dma_start3A_78 = tpu.memref_slice %arg4[%multiple_of3A_54] : memref<160000xi32, #tpu.memory_space<hbm>> -> memref<8xi32, #tpu.memory_space<hbm>>
      %dma_start3A_79 = tpu.memref_slice %arg4[%multiple_of3A_54] : memref<160000xi32, #tpu.memory_space<hbm>> -> memref<8xi32, #tpu.memory_space<hbm>>
      tpu.enqueue_dma source(%dma_start3A_79 : memref<8xi32, #tpu.memory_space<hbm>>) target(%arg14 : memref<8xi32, #tpu.memory_space<vmem>>) target_semaphore(%run_scoped3A_77 : memref<!tpu.dma_semaphore, #tpu.memory_space<semaphore_mem>>)
      %dma_wait3A_80 = tpu.memref_slice %arg4[%multiple_of3A_54] : memref<160000xi32, #tpu.memory_space<hbm>> -> memref<8xi32, #tpu.memory_space<hbm>>
      %dma_wait3A_81 = tpu.memref_slice %arg4[%multiple_of3A_54] : memref<160000xi32, #tpu.memory_space<hbm>> -> memref<8xi32, #tpu.memory_space<hbm>>
      tpu.wait_dma2 semaphore(%run_scoped3A_77 : memref<!tpu.dma_semaphore, #tpu.memory_space<semaphore_mem>>) src(%dma_wait3A_81 : memref<8xi32, #tpu.memory_space<hbm>>) dst(%arg14 : memref<8xi32, #tpu.memory_space<vmem>>)
      tpu.yield
    }) : () -> ()
    "tpu.region"() ({
      %run_scoped3A_77 = tpu.sem_alloc : memref<!tpu.dma_semaphore, #tpu.memory_space<semaphore_mem>>
      %dma_start3A_78 = tpu.memref_slice %arg5[%multiple_of3A_54] : memref<160000xi32, #tpu.memory_space<hbm>> -> memref<8xi32, #tpu.memory_space<hbm>>
      %dma_start3A_79 = tpu.memref_slice %arg5[%multiple_of3A_54] : memref<160000xi32, #tpu.memory_space<hbm>> -> memref<8xi32, #tpu.memory_space<hbm>>
      tpu.enqueue_dma source(%dma_start3A_79 : memref<8xi32, #tpu.memory_space<hbm>>) target(%arg15 : memref<8xi32, #tpu.memory_space<vmem>>) target_semaphore(%run_scoped3A_77 : memref<!tpu.dma_semaphore, #tpu.memory_space<semaphore_mem>>)
      %dma_wait3A_80 = tpu.memref_slice %arg5[%multiple_of3A_54] : memref<160000xi32, #tpu.memory_space<hbm>> -> memref<8xi32, #tpu.memory_space<hbm>>
      %dma_wait3A_81 = tpu.memref_slice %arg5[%multiple_of3A_54] : memref<160000xi32, #tpu.memory_space<hbm>> -> memref<8xi32, #tpu.memory_space<hbm>>
      tpu.wait_dma2 semaphore(%run_scoped3A_77 : memref<!tpu.dma_semaphore, #tpu.memory_space<semaphore_mem>>) src(%dma_wait3A_81 : memref<8xi32, #tpu.memory_space<hbm>>) dst(%arg15 : memref<8xi32, #tpu.memory_space<vmem>>)
      tpu.yield
    }) : () -> ()
    %dma_start3A_55 = arith.constant 0 : i32
    %dma_start3A_56 = arith.constant 0 : i32
    %dma_start3A_57 = tpu.memref_slice %arg3[%dma_start3A_55, %dma_start3A_56] : memref<10000x128xf32, #tpu.memory_space<hbm>> -> memref<10000x128xf32, #tpu.memory_space<hbm>>
    tpu.enqueue_indirect_dma source(%dma_start3A_57 : memref<10000x128xf32, #tpu.memory_space<hbm>>) target(%arg18 : memref<8x128xf32, #tpu.memory_space<vmem>>) offsets(%arg14 : memref<8xi32, #tpu.memory_space<vmem>>) semaphore(%arg20 : memref<!tpu.dma_semaphore, #tpu.memory_space<semaphore_mem>>)
    %dma_wait3A_58 = arith.constant 0 : i32
    %dma_wait3A_59 = arith.constant 0 : i32
    %dma_wait3A_60 = tpu.memref_slice %arg3[%dma_wait3A_58, %dma_wait3A_59] : memref<10000x128xf32, #tpu.memory_space<hbm>> -> memref<10000x128xf32, #tpu.memory_space<hbm>>
    tpu.wait_indirect_dma semaphore(%arg20 : memref<!tpu.dma_semaphore, #tpu.memory_space<semaphore_mem>>) src(%dma_wait3A_60 : memref<10000x128xf32, #tpu.memory_space<hbm>>) dst(%arg18 : memref<8x128xf32, #tpu.memory_space<vmem>>)
    "tpu.region"() ({
      %run_scoped3A_77 = tpu.sem_alloc : memref<!tpu.dma_semaphore, #tpu.memory_space<semaphore_mem>>
      %dma_start3A_78 = arith.constant 0 : i32
      %dma_start3A_79 = arith.constant 0 : i32
      %dma_start3A_80 = tpu.memref_slice %arg19[%dma_start3A_78, %dma_start3A_79] : memref<10240x128xf32, #tpu.memory_space<vmem_shared>> -> memref<10240x128xf32, #tpu.memory_space<vmem_shared>>
      tpu.enqueue_indirect_dma source(%arg18 : memref<8x128xf32, #tpu.memory_space<vmem>>) target(%dma_start3A_80 : memref<10240x128xf32, #tpu.memory_space<vmem_shared>>) offsets(%arg15 : memref<8xi32, #tpu.memory_space<vmem>>) semaphore(%run_scoped3A_77 : memref<!tpu.dma_semaphore, #tpu.memory_space<semaphore_mem>>) {add = true}
      %dma_wait3A_81 = arith.constant 0 : i32
      %dma_wait3A_82 = arith.constant 0 : i32
      %dma_wait3A_83 = tpu.memref_slice %arg19[%dma_wait3A_81, %dma_wait3A_82] : memref<10240x128xf32, #tpu.memory_space<vmem_shared>> -> memref<10240x128xf32, #tpu.memory_space<vmem_shared>>
      tpu.wait_indirect_dma semaphore(%run_scoped3A_77 : memref<!tpu.dma_semaphore, #tpu.memory_space<semaphore_mem>>) src(%arg18 : memref<8x128xf32, #tpu.memory_space<vmem>>) dst(%dma_wait3A_83 : memref<10240x128xf32, #tpu.memory_space<vmem_shared>>)
      tpu.yield
    }) : () -> ()
    %barrier3A_61 = arith.constant 0 : index
    tpu.barrier barrier_id(%barrier3A_61)
    %run_scoped3A_62 = arith.constant 1 : i32
    "tpu.region"() ({
      %run_scoped3A_77 = tpu.sem_alloc : memref<!tpu.dma_semaphore, #tpu.memory_space<semaphore_mem>>
      %dma_start3A_78 = arith.constant 0 : i32
      %dma_start3A_79 = tpu.memref_slice %arg8[%arg0, %run_scoped3A_62, %mul3A_0, %dma_start3A_78] : memref<2x2x10240x128xf32, #tpu.memory_space<hbm>> -> memref<1x1x640x128xf32, #tpu.memory_space<hbm>>
      %dma_start3A_80 = tpu.memref_squeeze %dma_start3A_79 : memref<1x1x640x128xf32, #tpu.memory_space<hbm>> -> memref<640x128xf32, #tpu.memory_space<hbm>>
      %dma_start3A_81 = arith.constant 0 : i32
      %dma_start3A_82 = tpu.memref_slice %arg19[%mul3A_0, %dma_start3A_81] : memref<10240x128xf32, #tpu.memory_space<vmem_shared>> -> memref<640x128xf32, #tpu.memory_space<vmem_shared>>
      tpu.enqueue_dma source(%dma_start3A_82 : memref<640x128xf32, #tpu.memory_space<vmem_shared>>) target(%dma_start3A_80 : memref<640x128xf32, #tpu.memory_space<hbm>>) target_semaphore(%run_scoped3A_77 : memref<!tpu.dma_semaphore, #tpu.memory_space<semaphore_mem>>)
      %dma_wait3A_83 = arith.constant 0 : i32
      %dma_wait3A_84 = tpu.memref_slice %arg8[%arg0, %run_scoped3A_62, %mul3A_0, %dma_wait3A_83] : memref<2x2x10240x128xf32, #tpu.memory_space<hbm>> -> memref<1x1x640x128xf32, #tpu.memory_space<hbm>>
      %dma_wait3A_85 = tpu.memref_squeeze %dma_wait3A_84 : memref<1x1x640x128xf32, #tpu.memory_space<hbm>> -> memref<640x128xf32, #tpu.memory_space<hbm>>
      %dma_wait3A_86 = arith.constant 0 : i32
      %dma_wait3A_87 = tpu.memref_slice %arg19[%mul3A_0, %dma_wait3A_86] : memref<10240x128xf32, #tpu.memory_space<vmem_shared>> -> memref<640x128xf32, #tpu.memory_space<vmem_shared>>
      tpu.wait_dma2 semaphore(%run_scoped3A_77 : memref<!tpu.dma_semaphore, #tpu.memory_space<semaphore_mem>>) src(%dma_wait3A_87 : memref<640x128xf32, #tpu.memory_space<vmem_shared>>) dst(%dma_wait3A_85 : memref<640x128xf32, #tpu.memory_space<hbm>>)
      tpu.yield
    }) : () -> ()
    "tpu.region"() ({
      %run_scoped3A_77 = tpu.sem_alloc : memref<!tpu.dma_semaphore, #tpu.memory_space<semaphore_mem>>
      %dma_start3A_78 = arith.constant 0 : i32
      %dma_start3A_79 = tpu.memref_slice %arg19[%mul3A_0, %dma_start3A_78] : memref<10240x128xf32, #tpu.memory_space<vmem_shared>> -> memref<640x128xf32, #tpu.memory_space<vmem_shared>>
      %dma_start3A_80 = arith.constant 0 : i32
      %dma_start3A_81 = tpu.memref_slice %arg6[%mul3A_0, %dma_start3A_80] : memref<10240x128xf32, #tpu.memory_space<hbm>> -> memref<640x128xf32, #tpu.memory_space<hbm>>
      tpu.enqueue_dma source(%dma_start3A_81 : memref<640x128xf32, #tpu.memory_space<hbm>>) target(%dma_start3A_79 : memref<640x128xf32, #tpu.memory_space<vmem_shared>>) target_semaphore(%run_scoped3A_77 : memref<!tpu.dma_semaphore, #tpu.memory_space<semaphore_mem>>)
      %dma_wait3A_82 = arith.constant 0 : i32
      %dma_wait3A_83 = tpu.memref_slice %arg19[%mul3A_0, %dma_wait3A_82] : memref<10240x128xf32, #tpu.memory_space<vmem_shared>> -> memref<640x128xf32, #tpu.memory_space<vmem_shared>>
      %dma_wait3A_84 = arith.constant 0 : i32
      %dma_wait3A_85 = tpu.memref_slice %arg6[%mul3A_0, %dma_wait3A_84] : memref<10240x128xf32, #tpu.memory_space<hbm>> -> memref<640x128xf32, #tpu.memory_space<hbm>>
      tpu.wait_dma2 semaphore(%run_scoped3A_77 : memref<!tpu.dma_semaphore, #tpu.memory_space<semaphore_mem>>) src(%dma_wait3A_85 : memref<640x128xf32, #tpu.memory_space<hbm>>) dst(%dma_wait3A_83 : memref<640x128xf32, #tpu.memory_space<vmem_shared>>)
      tpu.yield
    }) : () -> ()
    %barrier3A_63 = arith.constant 0 : index
    tpu.barrier barrier_id(%barrier3A_63)
    "tpu.region"() ({
      %run_scoped3A_77 = tpu.sem_alloc : memref<!tpu.dma_semaphore, #tpu.memory_space<semaphore_mem>>
      tpu.enqueue_dma source(%arg7 : memref<128x128xf32, #tpu.memory_space<hbm>>) target(%arg16 : memref<128x128xf32, #tpu.memory_space<vmem>>) target_semaphore(%run_scoped3A_77 : memref<!tpu.dma_semaphore, #tpu.memory_space<semaphore_mem>>)
      tpu.wait_dma2 semaphore(%run_scoped3A_77 : memref<!tpu.dma_semaphore, #tpu.memory_space<semaphore_mem>>) src(%arg7 : memref<128x128xf32, #tpu.memory_space<hbm>>) dst(%arg16 : memref<128x128xf32, #tpu.memory_space<vmem>>)
      tpu.yield
    }) : () -> ()
    "tpu.region"() ({
      %run_scoped3A_77 = tpu.sem_alloc : memref<!tpu.dma_semaphore, #tpu.memory_space<semaphore_mem>>
      %dma_start3A_78 = arith.constant 0 : i32
      %dma_start3A_79 = arith.constant 0 : i32
      %dma_start3A_80 = tpu.memref_slice %arg7[%dma_start3A_78, %dma_start3A_79] : memref<128x128xf32, #tpu.memory_space<hbm>> -> memref<8x128xf32, #tpu.memory_space<hbm>>
      %dma_start3A_81 = arith.constant 0 : i32
      %dma_start3A_82 = arith.constant 0 : i32
      %dma_start3A_83 = tpu.memref_slice %arg7[%dma_start3A_81, %dma_start3A_82] : memref<128x128xf32, #tpu.memory_space<hbm>> -> memref<8x128xf32, #tpu.memory_space<hbm>>
      tpu.enqueue_dma source(%dma_start3A_83 : memref<8x128xf32, #tpu.memory_space<hbm>>) target(%arg18 : memref<8x128xf32, #tpu.memory_space<vmem>>) target_semaphore(%run_scoped3A_77 : memref<!tpu.dma_semaphore, #tpu.memory_space<semaphore_mem>>)
      %dma_wait3A_84 = arith.constant 0 : i32
      %dma_wait3A_85 = arith.constant 0 : i32
      %dma_wait3A_86 = tpu.memref_slice %arg7[%dma_wait3A_84, %dma_wait3A_85] : memref<128x128xf32, #tpu.memory_space<hbm>> -> memref<8x128xf32, #tpu.memory_space<hbm>>
      %dma_wait3A_87 = arith.constant 0 : i32
      %dma_wait3A_88 = arith.constant 0 : i32
      %dma_wait3A_89 = tpu.memref_slice %arg7[%dma_wait3A_87, %dma_wait3A_88] : memref<128x128xf32, #tpu.memory_space<hbm>> -> memref<8x128xf32, #tpu.memory_space<hbm>>
      tpu.wait_dma2 semaphore(%run_scoped3A_77 : memref<!tpu.dma_semaphore, #tpu.memory_space<semaphore_mem>>) src(%dma_wait3A_89 : memref<8x128xf32, #tpu.memory_space<hbm>>) dst(%arg18 : memref<8x128xf32, #tpu.memory_space<vmem>>)
      tpu.yield
    }) : () -> ()
    %scan3A_64 = arith.constant 0 : i32
    %scan3A_65 = arith.constant 0 : i32
    %scan3A_66 = arith.constant 19 : i32
    %scan3A_67 = arith.addi %scan3A_65, %scan3A_66 : i32
    %scan3A_68 = arith.constant 1 : i32
    scf.for %scan3A_77 = %scan3A_65 to %scan3A_67 step %scan3A_68  : i32 {
      %mul3A_78 = arith.constant 2 : i32
      %mul3A_79 = arith.muli %mul3A_78, %scan3A_77 : i32
      %mul3A_80 = arith.constant 128 : i32
      %mul3A_81 = arith.muli %mul3A_79, %mul3A_80 : i32
      %add3A_82 = arith.addi %add3A, %mul3A_81 : i32
      %multiple_of3A_83 = tpu.assume_multiple %add3A_82, 8 : i32
      %mul3A_84 = arith.constant 2 : i32
      %mul3A_85 = arith.muli %mul3A_84, %scan3A_77 : i32
      %add3A_86 = arith.constant 1 : i32
      %add3A_87 = arith.addi %mul3A_85, %add3A_86 : i32
      %mul3A_88 = arith.constant 128 : i32
      %mul3A_89 = arith.muli %add3A_87, %mul3A_88 : i32
      %add3A_90 = arith.addi %add3A, %mul3A_89 : i32
      %multiple_of3A_91 = tpu.assume_multiple %add3A_90, 8 : i32
      "tpu.region"() ({
        %run_scoped3A_92 = tpu.sem_alloc : memref<!tpu.dma_semaphore, #tpu.memory_space<semaphore_mem>>
        %dma_start3A_93 = tpu.memref_slice %arg5[%multiple_of3A_83] : memref<160000xi32, #tpu.memory_space<hbm>> -> memref<128xi32, #tpu.memory_space<hbm>>
        %dma_start3A_94 = tpu.memref_slice %arg5[%multiple_of3A_83] : memref<160000xi32, #tpu.memory_space<hbm>> -> memref<128xi32, #tpu.memory_space<hbm>>
        tpu.enqueue_dma source(%dma_start3A_94 : memref<128xi32, #tpu.memory_space<hbm>>) target(%arg11 : memref<128xi32, #tpu.memory_space<vmem>>) target_semaphore(%run_scoped3A_92 : memref<!tpu.dma_semaphore, #tpu.memory_space<semaphore_mem>>)
        %dma_wait3A_95 = tpu.memref_slice %arg5[%multiple_of3A_83] : memref<160000xi32, #tpu.memory_space<hbm>> -> memref<128xi32, #tpu.memory_space<hbm>>
        %dma_wait3A_96 = tpu.memref_slice %arg5[%multiple_of3A_83] : memref<160000xi32, #tpu.memory_space<hbm>> -> memref<128xi32, #tpu.memory_space<hbm>>
        tpu.wait_dma2 semaphore(%run_scoped3A_92 : memref<!tpu.dma_semaphore, #tpu.memory_space<semaphore_mem>>) src(%dma_wait3A_96 : memref<128xi32, #tpu.memory_space<hbm>>) dst(%arg11 : memref<128xi32, #tpu.memory_space<vmem>>)
        tpu.yield
      }) : () -> ()
      "tpu.region"() ({
        %run_scoped3A_92 = tpu.sem_alloc : memref<!tpu.dma_semaphore, #tpu.memory_space<semaphore_mem>>
        %dma_start3A_93 = tpu.memref_slice %arg5[%multiple_of3A_91] : memref<160000xi32, #tpu.memory_space<hbm>> -> memref<128xi32, #tpu.memory_space<hbm>>
        %dma_start3A_94 = tpu.memref_slice %arg5[%multiple_of3A_91] : memref<160000xi32, #tpu.memory_space<hbm>> -> memref<128xi32, #tpu.memory_space<hbm>>
        tpu.enqueue_dma source(%dma_start3A_94 : memref<128xi32, #tpu.memory_space<hbm>>) target(%arg13 : memref<128xi32, #tpu.memory_space<vmem>>) target_semaphore(%run_scoped3A_92 : memref<!tpu.dma_semaphore, #tpu.memory_space<semaphore_mem>>)
        %dma_wait3A_95 = tpu.memref_slice %arg5[%multiple_of3A_91] : memref<160000xi32, #tpu.memory_space<hbm>> -> memref<128xi32, #tpu.memory_space<hbm>>
        %dma_wait3A_96 = tpu.memref_slice %arg5[%multiple_of3A_91] : memref<160000xi32, #tpu.memory_space<hbm>> -> memref<128xi32, #tpu.memory_space<hbm>>
        tpu.wait_dma2 semaphore(%run_scoped3A_92 : memref<!tpu.dma_semaphore, #tpu.memory_space<semaphore_mem>>) src(%dma_wait3A_96 : memref<128xi32, #tpu.memory_space<hbm>>) dst(%arg13 : memref<128xi32, #tpu.memory_space<vmem>>)
        tpu.yield
      }) : () -> ()
      "tpu.region"() ({
        %run_scoped3A_92 = tpu.sem_alloc : memref<!tpu.dma_semaphore, #tpu.memory_space<semaphore_mem>>
        %dma_start3A_93 = arith.constant 0 : i32
        %dma_start3A_94 = arith.constant 0 : i32
        %dma_start3A_95 = tpu.memref_slice %arg19[%dma_start3A_93, %dma_start3A_94] : memref<10240x128xf32, #tpu.memory_space<vmem_shared>> -> memref<10240x128xf32, #tpu.memory_space<vmem_shared>>
        tpu.enqueue_indirect_dma source(%arg16 : memref<128x128xf32, #tpu.memory_space<vmem>>) target(%dma_start3A_95 : memref<10240x128xf32, #tpu.memory_space<vmem_shared>>) offsets(%arg11 : memref<128xi32, #tpu.memory_space<vmem>>) semaphore(%run_scoped3A_92 : memref<!tpu.dma_semaphore, #tpu.memory_space<semaphore_mem>>) {add = true}
        %dma_wait3A_96 = arith.constant 0 : i32
        %dma_wait3A_97 = arith.constant 0 : i32
        %dma_wait3A_98 = tpu.memref_slice %arg19[%dma_wait3A_96, %dma_wait3A_97] : memref<10240x128xf32, #tpu.memory_space<vmem_shared>> -> memref<10240x128xf32, #tpu.memory_space<vmem_shared>>
        tpu.wait_indirect_dma semaphore(%run_scoped3A_92 : memref<!tpu.dma_semaphore, #tpu.memory_space<semaphore_mem>>) src(%arg16 : memref<128x128xf32, #tpu.memory_space<vmem>>) dst(%dma_wait3A_98 : memref<10240x128xf32, #tpu.memory_space<vmem_shared>>)
        tpu.yield
      }) : () -> ()
      "tpu.region"() ({
        %run_scoped3A_92 = tpu.sem_alloc : memref<!tpu.dma_semaphore, #tpu.memory_space<semaphore_mem>>
        %dma_start3A_93 = arith.constant 0 : i32
        %dma_start3A_94 = arith.constant 0 : i32
        %dma_start3A_95 = tpu.memref_slice %arg19[%dma_start3A_93, %dma_start3A_94] : memref<10240x128xf32, #tpu.memory_space<vmem_shared>> -> memref<10240x128xf32, #tpu.memory_space<vmem_shared>>
        tpu.enqueue_indirect_dma source(%arg16 : memref<128x128xf32, #tpu.memory_space<vmem>>) target(%dma_start3A_95 : memref<10240x128xf32, #tpu.memory_space<vmem_shared>>) offsets(%arg13 : memref<128xi32, #tpu.memory_space<vmem>>) semaphore(%run_scoped3A_92 : memref<!tpu.dma_semaphore, #tpu.memory_space<semaphore_mem>>) {add = true}
        %dma_wait3A_96 = arith.constant 0 : i32
        %dma_wait3A_97 = arith.constant 0 : i32
        %dma_wait3A_98 = tpu.memref_slice %arg19[%dma_wait3A_96, %dma_wait3A_97] : memref<10240x128xf32, #tpu.memory_space<vmem_shared>> -> memref<10240x128xf32, #tpu.memory_space<vmem_shared>>
        tpu.wait_indirect_dma semaphore(%run_scoped3A_92 : memref<!tpu.dma_semaphore, #tpu.memory_space<semaphore_mem>>) src(%arg16 : memref<128x128xf32, #tpu.memory_space<vmem>>) dst(%dma_wait3A_98 : memref<10240x128xf32, #tpu.memory_space<vmem_shared>>)
        tpu.yield
      }) : () -> ()
    }
    %scan3A_69 = arith.constant 19 : i32
    %add3A_70 = arith.constant 4864 : i32
    %add3A_71 = arith.addi %add3A, %add3A_70 : i32
    %multiple_of3A_72 = tpu.assume_multiple %add3A_71, 8 : i32
    "tpu.region"() ({
      %run_scoped3A_77 = tpu.sem_alloc : memref<!tpu.dma_semaphore, #tpu.memory_space<semaphore_mem>>
      %dma_start3A_78 = tpu.memref_slice %arg5[%multiple_of3A_72] : memref<160000xi32, #tpu.memory_space<hbm>> -> memref<128xi32, #tpu.memory_space<hbm>>
      %dma_start3A_79 = tpu.memref_slice %arg5[%multiple_of3A_72] : memref<160000xi32, #tpu.memory_space<hbm>> -> memref<128xi32, #tpu.memory_space<hbm>>
      tpu.enqueue_dma source(%dma_start3A_79 : memref<128xi32, #tpu.memory_space<hbm>>) target(%arg11 : memref<128xi32, #tpu.memory_space<vmem>>) target_semaphore(%run_scoped3A_77 : memref<!tpu.dma_semaphore, #tpu.memory_space<semaphore_mem>>)
      %dma_wait3A_80 = tpu.memref_slice %arg5[%multiple_of3A_72] : memref<160000xi32, #tpu.memory_space<hbm>> -> memref<128xi32, #tpu.memory_space<hbm>>
      %dma_wait3A_81 = tpu.memref_slice %arg5[%multiple_of3A_72] : memref<160000xi32, #tpu.memory_space<hbm>> -> memref<128xi32, #tpu.memory_space<hbm>>
      tpu.wait_dma2 semaphore(%run_scoped3A_77 : memref<!tpu.dma_semaphore, #tpu.memory_space<semaphore_mem>>) src(%dma_wait3A_81 : memref<128xi32, #tpu.memory_space<hbm>>) dst(%arg11 : memref<128xi32, #tpu.memory_space<vmem>>)
      tpu.yield
    }) : () -> ()
    "tpu.region"() ({
      %run_scoped3A_77 = tpu.sem_alloc : memref<!tpu.dma_semaphore, #tpu.memory_space<semaphore_mem>>
      %dma_start3A_78 = arith.constant 0 : i32
      %dma_start3A_79 = arith.constant 0 : i32
      %dma_start3A_80 = tpu.memref_slice %arg19[%dma_start3A_78, %dma_start3A_79] : memref<10240x128xf32, #tpu.memory_space<vmem_shared>> -> memref<10240x128xf32, #tpu.memory_space<vmem_shared>>
      tpu.enqueue_indirect_dma source(%arg16 : memref<128x128xf32, #tpu.memory_space<vmem>>) target(%dma_start3A_80 : memref<10240x128xf32, #tpu.memory_space<vmem_shared>>) offsets(%arg11 : memref<128xi32, #tpu.memory_space<vmem>>) semaphore(%run_scoped3A_77 : memref<!tpu.dma_semaphore, #tpu.memory_space<semaphore_mem>>) {add = true}
      %dma_wait3A_81 = arith.constant 0 : i32
      %dma_wait3A_82 = arith.constant 0 : i32
      %dma_wait3A_83 = tpu.memref_slice %arg19[%dma_wait3A_81, %dma_wait3A_82] : memref<10240x128xf32, #tpu.memory_space<vmem_shared>> -> memref<10240x128xf32, #tpu.memory_space<vmem_shared>>
      tpu.wait_indirect_dma semaphore(%run_scoped3A_77 : memref<!tpu.dma_semaphore, #tpu.memory_space<semaphore_mem>>) src(%arg16 : memref<128x128xf32, #tpu.memory_space<vmem>>) dst(%dma_wait3A_83 : memref<10240x128xf32, #tpu.memory_space<vmem_shared>>)
      tpu.yield
    }) : () -> ()
    %add3A_73 = arith.constant 4992 : i32
    %add3A_74 = arith.addi %add3A, %add3A_73 : i32
    %multiple_of3A_75 = tpu.assume_multiple %add3A_74, 8 : i32
    "tpu.region"() ({
      %run_scoped3A_77 = tpu.sem_alloc : memref<!tpu.dma_semaphore, #tpu.memory_space<semaphore_mem>>
      %dma_start3A_78 = tpu.memref_slice %arg5[%multiple_of3A_75] : memref<160000xi32, #tpu.memory_space<hbm>> -> memref<8xi32, #tpu.memory_space<hbm>>
      %dma_start3A_79 = tpu.memref_slice %arg5[%multiple_of3A_75] : memref<160000xi32, #tpu.memory_space<hbm>> -> memref<8xi32, #tpu.memory_space<hbm>>
      tpu.enqueue_dma source(%dma_start3A_79 : memref<8xi32, #tpu.memory_space<hbm>>) target(%arg15 : memref<8xi32, #tpu.memory_space<vmem>>) target_semaphore(%run_scoped3A_77 : memref<!tpu.dma_semaphore, #tpu.memory_space<semaphore_mem>>)
      %dma_wait3A_80 = tpu.memref_slice %arg5[%multiple_of3A_75] : memref<160000xi32, #tpu.memory_space<hbm>> -> memref<8xi32, #tpu.memory_space<hbm>>
      %dma_wait3A_81 = tpu.memref_slice %arg5[%multiple_of3A_75] : memref<160000xi32, #tpu.memory_space<hbm>> -> memref<8xi32, #tpu.memory_space<hbm>>
      tpu.wait_dma2 semaphore(%run_scoped3A_77 : memref<!tpu.dma_semaphore, #tpu.memory_space<semaphore_mem>>) src(%dma_wait3A_81 : memref<8xi32, #tpu.memory_space<hbm>>) dst(%arg15 : memref<8xi32, #tpu.memory_space<vmem>>)
      tpu.yield
    }) : () -> ()
    "tpu.region"() ({
      %run_scoped3A_77 = tpu.sem_alloc : memref<!tpu.dma_semaphore, #tpu.memory_space<semaphore_mem>>
      %dma_start3A_78 = arith.constant 0 : i32
      %dma_start3A_79 = arith.constant 0 : i32
      %dma_start3A_80 = tpu.memref_slice %arg19[%dma_start3A_78, %dma_start3A_79] : memref<10240x128xf32, #tpu.memory_space<vmem_shared>> -> memref<10240x128xf32, #tpu.memory_space<vmem_shared>>
      tpu.enqueue_indirect_dma source(%arg18 : memref<8x128xf32, #tpu.memory_space<vmem>>) target(%dma_start3A_80 : memref<10240x128xf32, #tpu.memory_space<vmem_shared>>) offsets(%arg15 : memref<8xi32, #tpu.memory_space<vmem>>) semaphore(%run_scoped3A_77 : memref<!tpu.dma_semaphore, #tpu.memory_space<semaphore_mem>>) {add = true}
      %dma_wait3A_81 = arith.constant 0 : i32
      %dma_wait3A_82 = arith.constant 0 : i32
      %dma_wait3A_83 = tpu.memref_slice %arg19[%dma_wait3A_81, %dma_wait3A_82] : memref<10240x128xf32, #tpu.memory_space<vmem_shared>> -> memref<10240x128xf32, #tpu.memory_space<vmem_shared>>
      tpu.wait_indirect_dma semaphore(%run_scoped3A_77 : memref<!tpu.dma_semaphore, #tpu.memory_space<semaphore_mem>>) src(%arg18 : memref<8x128xf32, #tpu.memory_space<vmem>>) dst(%dma_wait3A_83 : memref<10240x128xf32, #tpu.memory_space<vmem_shared>>)
      tpu.yield
    }) : () -> ()
    %barrier3A_76 = arith.constant 0 : index
    tpu.barrier barrier_id(%barrier3A_76)
    "tpu.region"() ({
      %run_scoped3A_77 = tpu.sem_alloc : memref<!tpu.dma_semaphore, #tpu.memory_space<semaphore_mem>>
      %dma_start3A_78 = arith.constant 0 : i32
      %dma_start3A_79 = tpu.memref_slice %arg9[%arg0, %mul3A_0, %dma_start3A_78] : memref<2x10240x128xf32, #tpu.memory_space<hbm>> -> memref<1x640x128xf32, #tpu.memory_space<hbm>>
      %dma_start3A_80 = tpu.memref_squeeze %dma_start3A_79 : memref<1x640x128xf32, #tpu.memory_space<hbm>> -> memref<640x128xf32, #tpu.memory_space<hbm>>
      %dma_start3A_81 = arith.constant 0 : i32
      %dma_start3A_82 = tpu.memref_slice %arg19[%mul3A_0, %dma_start3A_81] : memref<10240x128xf32, #tpu.memory_space<vmem_shared>> -> memref<640x128xf32, #tpu.memory_space<vmem_shared>>
      tpu.enqueue_dma source(%dma_start3A_82 : memref<640x128xf32, #tpu.memory_space<vmem_shared>>) target(%dma_start3A_80 : memref<640x128xf32, #tpu.memory_space<hbm>>) target_semaphore(%run_scoped3A_77 : memref<!tpu.dma_semaphore, #tpu.memory_space<semaphore_mem>>)
      %dma_wait3A_83 = arith.constant 0 : i32
      %dma_wait3A_84 = tpu.memref_slice %arg9[%arg0, %mul3A_0, %dma_wait3A_83] : memref<2x10240x128xf32, #tpu.memory_space<hbm>> -> memref<1x640x128xf32, #tpu.memory_space<hbm>>
      %dma_wait3A_85 = tpu.memref_squeeze %dma_wait3A_84 : memref<1x640x128xf32, #tpu.memory_space<hbm>> -> memref<640x128xf32, #tpu.memory_space<hbm>>
      %dma_wait3A_86 = arith.constant 0 : i32
      %dma_wait3A_87 = tpu.memref_slice %arg19[%mul3A_0, %dma_wait3A_86] : memref<10240x128xf32, #tpu.memory_space<vmem_shared>> -> memref<640x128xf32, #tpu.memory_space<vmem_shared>>
      tpu.wait_dma2 semaphore(%run_scoped3A_77 : memref<!tpu.dma_semaphore, #tpu.memory_space<semaphore_mem>>) src(%dma_wait3A_87 : memref<640x128xf32, #tpu.memory_space<vmem_shared>>) dst(%dma_wait3A_85 : memref<640x128xf32, #tpu.memory_space<hbm>>)
      tpu.yield
    }) : () -> ()
    return
  }
}

#map = affine_map<(d0, d1) -> (0, 0)>
#map1 = affine_map<(d0, d1) -> (0)>
#map2 = affine_map<(d0, d1) -> (0, 0, 0)>
module attributes {stable_mosaic.version = 14 : i64} {
  func.func @k(%arg0: i32, %arg1: i32, %arg2: memref<10000x128xf32, #tpu.memory_space<hbm>>, %arg3: memref<160000xi32, #tpu.memory_space<hbm>>, %arg4: memref<160000xi32, #tpu.memory_space<hbm>>, %arg5: memref<10240x128xf32, #tpu.memory_space<hbm>>, %arg6: memref<2x10240x128xf32, #tpu.memory_space<hbm>>, %arg7: memref<128xi32, #tpu.memory_space<vmem>>, %arg8: memref<128xi32, #tpu.memory_space<vmem>>, %arg9: memref<128xi32, #tpu.memory_space<vmem>>, %arg10: memref<128xi32, #tpu.memory_space<vmem>>, %arg11: memref<8xi32, #tpu.memory_space<vmem>>, %arg12: memref<8xi32, #tpu.memory_space<vmem>>, %arg13: memref<128x128xf32, #tpu.memory_space<vmem>>, %arg14: memref<128x128xf32, #tpu.memory_space<vmem>>, %arg15: memref<8x128xf32, #tpu.memory_space<vmem>>, %arg16: memref<10240x128xf32, #tpu.memory_space<vmem_shared>>, %arg17: memref<!tpu.dma_semaphore, #tpu.memory_space<semaphore_mem>>, %arg18: memref<!tpu.dma_semaphore, #tpu.memory_space<semaphore_mem>>) attributes {dimension_semantics = [#tpu.dimension_semantics<core_parallel>, #tpu.dimension_semantics<subcore_parallel>], iteration_bounds = array<i64: 2, 16>, scalar_prefetch = 0 : i64, scratch_operands = 12 : i64, tpu.core_type = #tpu.core_type<sc_vector_subcore>, window_params = [{transform_indices = #map}, {transform_indices = #map1}, {transform_indices = #map1}, {transform_indices = #map}, {transform_indices = #map2}]} {
    %mul3A = arith.constant 640 : i32
    %mul3A_0 = arith.muli %arg1, %mul3A : i32
    "tpu.region"() ({
      %run_scoped3A = tpu.sem_alloc : memref<!tpu.dma_semaphore, #tpu.memory_space<semaphore_mem>>
      %dma_start3A_26 = arith.constant 0 : i32
      %dma_start3A_27 = tpu.memref_slice %arg16[%mul3A_0, %dma_start3A_26] : memref<10240x128xf32, #tpu.memory_space<vmem_shared>> -> memref<640x128xf32, #tpu.memory_space<vmem_shared>>
      %dma_start3A_28 = arith.constant 0 : i32
      %dma_start3A_29 = tpu.memref_slice %arg5[%mul3A_0, %dma_start3A_28] : memref<10240x128xf32, #tpu.memory_space<hbm>> -> memref<640x128xf32, #tpu.memory_space<hbm>>
      tpu.enqueue_dma source(%dma_start3A_29 : memref<640x128xf32, #tpu.memory_space<hbm>>) target(%dma_start3A_27 : memref<640x128xf32, #tpu.memory_space<vmem_shared>>) target_semaphore(%run_scoped3A : memref<!tpu.dma_semaphore, #tpu.memory_space<semaphore_mem>>)
      %dma_wait3A_30 = arith.constant 0 : i32
      %dma_wait3A_31 = tpu.memref_slice %arg16[%mul3A_0, %dma_wait3A_30] : memref<10240x128xf32, #tpu.memory_space<vmem_shared>> -> memref<640x128xf32, #tpu.memory_space<vmem_shared>>
      %dma_wait3A_32 = arith.constant 0 : i32
      %dma_wait3A_33 = tpu.memref_slice %arg5[%mul3A_0, %dma_wait3A_32] : memref<10240x128xf32, #tpu.memory_space<hbm>> -> memref<640x128xf32, #tpu.memory_space<hbm>>
      tpu.wait_dma2 semaphore(%run_scoped3A : memref<!tpu.dma_semaphore, #tpu.memory_space<semaphore_mem>>) src(%dma_wait3A_33 : memref<640x128xf32, #tpu.memory_space<hbm>>) dst(%dma_wait3A_31 : memref<640x128xf32, #tpu.memory_space<vmem_shared>>)
      tpu.yield
    }) : () -> ()
    %barrier3A = arith.constant 0 : index
    tpu.barrier barrier_id(%barrier3A)
    %mul3A_1 = arith.constant 80000 : i32
    %mul3A_2 = arith.muli %arg0, %mul3A_1 : i32
    %mul3A_3 = arith.constant 5000 : i32
    %mul3A_4 = arith.muli %arg1, %mul3A_3 : i32
    %add3A = arith.addi %mul3A_2, %mul3A_4 : i32
    %add3A_5 = arith.constant 0 : i32
    %add3A_6 = arith.addi %add3A, %add3A_5 : i32
    %multiple_of3A = tpu.assume_multiple %add3A_6, 8 : i32
    "tpu.region"() ({
      %run_scoped3A = tpu.sem_alloc : memref<!tpu.dma_semaphore, #tpu.memory_space<semaphore_mem>>
      %dma_start3A_26 = tpu.memref_slice %arg3[%multiple_of3A] : memref<160000xi32, #tpu.memory_space<hbm>> -> memref<128xi32, #tpu.memory_space<hbm>>
      %dma_start3A_27 = tpu.memref_slice %arg3[%multiple_of3A] : memref<160000xi32, #tpu.memory_space<hbm>> -> memref<128xi32, #tpu.memory_space<hbm>>
      tpu.enqueue_dma source(%dma_start3A_27 : memref<128xi32, #tpu.memory_space<hbm>>) target(%arg7 : memref<128xi32, #tpu.memory_space<vmem>>) target_semaphore(%run_scoped3A : memref<!tpu.dma_semaphore, #tpu.memory_space<semaphore_mem>>)
      %dma_wait3A_28 = tpu.memref_slice %arg3[%multiple_of3A] : memref<160000xi32, #tpu.memory_space<hbm>> -> memref<128xi32, #tpu.memory_space<hbm>>
      %dma_wait3A_29 = tpu.memref_slice %arg3[%multiple_of3A] : memref<160000xi32, #tpu.memory_space<hbm>> -> memref<128xi32, #tpu.memory_space<hbm>>
      tpu.wait_dma2 semaphore(%run_scoped3A : memref<!tpu.dma_semaphore, #tpu.memory_space<semaphore_mem>>) src(%dma_wait3A_29 : memref<128xi32, #tpu.memory_space<hbm>>) dst(%arg7 : memref<128xi32, #tpu.memory_space<vmem>>)
      tpu.yield
    }) : () -> ()
    "tpu.region"() ({
      %run_scoped3A = tpu.sem_alloc : memref<!tpu.dma_semaphore, #tpu.memory_space<semaphore_mem>>
      %dma_start3A_26 = tpu.memref_slice %arg4[%multiple_of3A] : memref<160000xi32, #tpu.memory_space<hbm>> -> memref<128xi32, #tpu.memory_space<hbm>>
      %dma_start3A_27 = tpu.memref_slice %arg4[%multiple_of3A] : memref<160000xi32, #tpu.memory_space<hbm>> -> memref<128xi32, #tpu.memory_space<hbm>>
      tpu.enqueue_dma source(%dma_start3A_27 : memref<128xi32, #tpu.memory_space<hbm>>) target(%arg8 : memref<128xi32, #tpu.memory_space<vmem>>) target_semaphore(%run_scoped3A : memref<!tpu.dma_semaphore, #tpu.memory_space<semaphore_mem>>)
      %dma_wait3A_28 = tpu.memref_slice %arg4[%multiple_of3A] : memref<160000xi32, #tpu.memory_space<hbm>> -> memref<128xi32, #tpu.memory_space<hbm>>
      %dma_wait3A_29 = tpu.memref_slice %arg4[%multiple_of3A] : memref<160000xi32, #tpu.memory_space<hbm>> -> memref<128xi32, #tpu.memory_space<hbm>>
      tpu.wait_dma2 semaphore(%run_scoped3A : memref<!tpu.dma_semaphore, #tpu.memory_space<semaphore_mem>>) src(%dma_wait3A_29 : memref<128xi32, #tpu.memory_space<hbm>>) dst(%arg8 : memref<128xi32, #tpu.memory_space<vmem>>)
      tpu.yield
    }) : () -> ()
    %dma_start3A = arith.constant 0 : i32
    %dma_start3A_7 = arith.constant 0 : i32
    %dma_start3A_8 = tpu.memref_slice %arg2[%dma_start3A, %dma_start3A_7] : memref<10000x128xf32, #tpu.memory_space<hbm>> -> memref<10000x128xf32, #tpu.memory_space<hbm>>
    tpu.enqueue_indirect_dma source(%dma_start3A_8 : memref<10000x128xf32, #tpu.memory_space<hbm>>) target(%arg13 : memref<128x128xf32, #tpu.memory_space<vmem>>) offsets(%arg7 : memref<128xi32, #tpu.memory_space<vmem>>) semaphore(%arg17 : memref<!tpu.dma_semaphore, #tpu.memory_space<semaphore_mem>>)
    %scan3A = arith.constant 0 : i32
    %scan3A_9 = arith.constant 0 : i32
    %scan3A_10 = arith.constant 19 : i32
    %scan3A_11 = arith.addi %scan3A_9, %scan3A_10 : i32
    %scan3A_12 = arith.constant 1 : i32
    scf.for %scan3A_26 = %scan3A_9 to %scan3A_11 step %scan3A_12  : i32 {
      %mul3A_27 = arith.constant 2 : i32
      %mul3A_28 = arith.muli %mul3A_27, %scan3A_26 : i32
      %add3A_29 = arith.constant 1 : i32
      %add3A_30 = arith.addi %mul3A_28, %add3A_29 : i32
      %mul3A_31 = arith.constant 128 : i32
      %mul3A_32 = arith.muli %add3A_30, %mul3A_31 : i32
      %add3A_33 = arith.addi %add3A, %mul3A_32 : i32
      %multiple_of3A_34 = tpu.assume_multiple %add3A_33, 8 : i32
      "tpu.region"() ({
        %run_scoped3A = tpu.sem_alloc : memref<!tpu.dma_semaphore, #tpu.memory_space<semaphore_mem>>
        %dma_start3A_55 = tpu.memref_slice %arg3[%multiple_of3A_34] : memref<160000xi32, #tpu.memory_space<hbm>> -> memref<128xi32, #tpu.memory_space<hbm>>
        %dma_start3A_56 = tpu.memref_slice %arg3[%multiple_of3A_34] : memref<160000xi32, #tpu.memory_space<hbm>> -> memref<128xi32, #tpu.memory_space<hbm>>
        tpu.enqueue_dma source(%dma_start3A_56 : memref<128xi32, #tpu.memory_space<hbm>>) target(%arg9 : memref<128xi32, #tpu.memory_space<vmem>>) target_semaphore(%run_scoped3A : memref<!tpu.dma_semaphore, #tpu.memory_space<semaphore_mem>>)
        %dma_wait3A_57 = tpu.memref_slice %arg3[%multiple_of3A_34] : memref<160000xi32, #tpu.memory_space<hbm>> -> memref<128xi32, #tpu.memory_space<hbm>>
        %dma_wait3A_58 = tpu.memref_slice %arg3[%multiple_of3A_34] : memref<160000xi32, #tpu.memory_space<hbm>> -> memref<128xi32, #tpu.memory_space<hbm>>
        tpu.wait_dma2 semaphore(%run_scoped3A : memref<!tpu.dma_semaphore, #tpu.memory_space<semaphore_mem>>) src(%dma_wait3A_58 : memref<128xi32, #tpu.memory_space<hbm>>) dst(%arg9 : memref<128xi32, #tpu.memory_space<vmem>>)
        tpu.yield
      }) : () -> ()
      "tpu.region"() ({
        %run_scoped3A = tpu.sem_alloc : memref<!tpu.dma_semaphore, #tpu.memory_space<semaphore_mem>>
        %dma_start3A_55 = tpu.memref_slice %arg4[%multiple_of3A_34] : memref<160000xi32, #tpu.memory_space<hbm>> -> memref<128xi32, #tpu.memory_space<hbm>>
        %dma_start3A_56 = tpu.memref_slice %arg4[%multiple_of3A_34] : memref<160000xi32, #tpu.memory_space<hbm>> -> memref<128xi32, #tpu.memory_space<hbm>>
        tpu.enqueue_dma source(%dma_start3A_56 : memref<128xi32, #tpu.memory_space<hbm>>) target(%arg10 : memref<128xi32, #tpu.memory_space<vmem>>) target_semaphore(%run_scoped3A : memref<!tpu.dma_semaphore, #tpu.memory_space<semaphore_mem>>)
        %dma_wait3A_57 = tpu.memref_slice %arg4[%multiple_of3A_34] : memref<160000xi32, #tpu.memory_space<hbm>> -> memref<128xi32, #tpu.memory_space<hbm>>
        %dma_wait3A_58 = tpu.memref_slice %arg4[%multiple_of3A_34] : memref<160000xi32, #tpu.memory_space<hbm>> -> memref<128xi32, #tpu.memory_space<hbm>>
        tpu.wait_dma2 semaphore(%run_scoped3A : memref<!tpu.dma_semaphore, #tpu.memory_space<semaphore_mem>>) src(%dma_wait3A_58 : memref<128xi32, #tpu.memory_space<hbm>>) dst(%arg10 : memref<128xi32, #tpu.memory_space<vmem>>)
        tpu.yield
      }) : () -> ()
      %dma_start3A_35 = arith.constant 0 : i32
      %dma_start3A_36 = arith.constant 0 : i32
      %dma_start3A_37 = tpu.memref_slice %arg2[%dma_start3A_35, %dma_start3A_36] : memref<10000x128xf32, #tpu.memory_space<hbm>> -> memref<10000x128xf32, #tpu.memory_space<hbm>>
      tpu.enqueue_indirect_dma source(%dma_start3A_37 : memref<10000x128xf32, #tpu.memory_space<hbm>>) target(%arg14 : memref<128x128xf32, #tpu.memory_space<vmem>>) offsets(%arg9 : memref<128xi32, #tpu.memory_space<vmem>>) semaphore(%arg18 : memref<!tpu.dma_semaphore, #tpu.memory_space<semaphore_mem>>)
      %dma_wait3A_38 = arith.constant 0 : i32
      %dma_wait3A_39 = arith.constant 0 : i32
      %dma_wait3A_40 = tpu.memref_slice %arg2[%dma_wait3A_38, %dma_wait3A_39] : memref<10000x128xf32, #tpu.memory_space<hbm>> -> memref<10000x128xf32, #tpu.memory_space<hbm>>
      tpu.wait_indirect_dma semaphore(%arg17 : memref<!tpu.dma_semaphore, #tpu.memory_space<semaphore_mem>>) src(%dma_wait3A_40 : memref<10000x128xf32, #tpu.memory_space<hbm>>) dst(%arg13 : memref<128x128xf32, #tpu.memory_space<vmem>>)
      "tpu.region"() ({
        %run_scoped3A = tpu.sem_alloc : memref<!tpu.dma_semaphore, #tpu.memory_space<semaphore_mem>>
        %dma_start3A_55 = arith.constant 0 : i32
        %dma_start3A_56 = arith.constant 0 : i32
        %dma_start3A_57 = tpu.memref_slice %arg16[%dma_start3A_55, %dma_start3A_56] : memref<10240x128xf32, #tpu.memory_space<vmem_shared>> -> memref<10240x128xf32, #tpu.memory_space<vmem_shared>>
        tpu.enqueue_indirect_dma source(%arg13 : memref<128x128xf32, #tpu.memory_space<vmem>>) target(%dma_start3A_57 : memref<10240x128xf32, #tpu.memory_space<vmem_shared>>) offsets(%arg8 : memref<128xi32, #tpu.memory_space<vmem>>) semaphore(%run_scoped3A : memref<!tpu.dma_semaphore, #tpu.memory_space<semaphore_mem>>) {add = true}
        %dma_wait3A_58 = arith.constant 0 : i32
        %dma_wait3A_59 = arith.constant 0 : i32
        %dma_wait3A_60 = tpu.memref_slice %arg16[%dma_wait3A_58, %dma_wait3A_59] : memref<10240x128xf32, #tpu.memory_space<vmem_shared>> -> memref<10240x128xf32, #tpu.memory_space<vmem_shared>>
        tpu.wait_indirect_dma semaphore(%run_scoped3A : memref<!tpu.dma_semaphore, #tpu.memory_space<semaphore_mem>>) src(%arg13 : memref<128x128xf32, #tpu.memory_space<vmem>>) dst(%dma_wait3A_60 : memref<10240x128xf32, #tpu.memory_space<vmem_shared>>)
        tpu.yield
      }) : () -> ()
      %mul3A_41 = arith.constant 2 : i32
      %mul3A_42 = arith.muli %mul3A_41, %scan3A_26 : i32
      %add3A_43 = arith.constant 2 : i32
      %add3A_44 = arith.addi %mul3A_42, %add3A_43 : i32
      %mul3A_45 = arith.constant 128 : i32
      %mul3A_46 = arith.muli %add3A_44, %mul3A_45 : i32
      %add3A_47 = arith.addi %add3A, %mul3A_46 : i32
      %multiple_of3A_48 = tpu.assume_multiple %add3A_47, 8 : i32
      "tpu.region"() ({
        %run_scoped3A = tpu.sem_alloc : memref<!tpu.dma_semaphore, #tpu.memory_space<semaphore_mem>>
        %dma_start3A_55 = tpu.memref_slice %arg3[%multiple_of3A_48] : memref<160000xi32, #tpu.memory_space<hbm>> -> memref<128xi32, #tpu.memory_space<hbm>>
        %dma_start3A_56 = tpu.memref_slice %arg3[%multiple_of3A_48] : memref<160000xi32, #tpu.memory_space<hbm>> -> memref<128xi32, #tpu.memory_space<hbm>>
        tpu.enqueue_dma source(%dma_start3A_56 : memref<128xi32, #tpu.memory_space<hbm>>) target(%arg7 : memref<128xi32, #tpu.memory_space<vmem>>) target_semaphore(%run_scoped3A : memref<!tpu.dma_semaphore, #tpu.memory_space<semaphore_mem>>)
        %dma_wait3A_57 = tpu.memref_slice %arg3[%multiple_of3A_48] : memref<160000xi32, #tpu.memory_space<hbm>> -> memref<128xi32, #tpu.memory_space<hbm>>
        %dma_wait3A_58 = tpu.memref_slice %arg3[%multiple_of3A_48] : memref<160000xi32, #tpu.memory_space<hbm>> -> memref<128xi32, #tpu.memory_space<hbm>>
        tpu.wait_dma2 semaphore(%run_scoped3A : memref<!tpu.dma_semaphore, #tpu.memory_space<semaphore_mem>>) src(%dma_wait3A_58 : memref<128xi32, #tpu.memory_space<hbm>>) dst(%arg7 : memref<128xi32, #tpu.memory_space<vmem>>)
        tpu.yield
      }) : () -> ()
      "tpu.region"() ({
        %run_scoped3A = tpu.sem_alloc : memref<!tpu.dma_semaphore, #tpu.memory_space<semaphore_mem>>
        %dma_start3A_55 = tpu.memref_slice %arg4[%multiple_of3A_48] : memref<160000xi32, #tpu.memory_space<hbm>> -> memref<128xi32, #tpu.memory_space<hbm>>
        %dma_start3A_56 = tpu.memref_slice %arg4[%multiple_of3A_48] : memref<160000xi32, #tpu.memory_space<hbm>> -> memref<128xi32, #tpu.memory_space<hbm>>
        tpu.enqueue_dma source(%dma_start3A_56 : memref<128xi32, #tpu.memory_space<hbm>>) target(%arg8 : memref<128xi32, #tpu.memory_space<vmem>>) target_semaphore(%run_scoped3A : memref<!tpu.dma_semaphore, #tpu.memory_space<semaphore_mem>>)
        %dma_wait3A_57 = tpu.memref_slice %arg4[%multiple_of3A_48] : memref<160000xi32, #tpu.memory_space<hbm>> -> memref<128xi32, #tpu.memory_space<hbm>>
        %dma_wait3A_58 = tpu.memref_slice %arg4[%multiple_of3A_48] : memref<160000xi32, #tpu.memory_space<hbm>> -> memref<128xi32, #tpu.memory_space<hbm>>
        tpu.wait_dma2 semaphore(%run_scoped3A : memref<!tpu.dma_semaphore, #tpu.memory_space<semaphore_mem>>) src(%dma_wait3A_58 : memref<128xi32, #tpu.memory_space<hbm>>) dst(%arg8 : memref<128xi32, #tpu.memory_space<vmem>>)
        tpu.yield
      }) : () -> ()
      %dma_start3A_49 = arith.constant 0 : i32
      %dma_start3A_50 = arith.constant 0 : i32
      %dma_start3A_51 = tpu.memref_slice %arg2[%dma_start3A_49, %dma_start3A_50] : memref<10000x128xf32, #tpu.memory_space<hbm>> -> memref<10000x128xf32, #tpu.memory_space<hbm>>
      tpu.enqueue_indirect_dma source(%dma_start3A_51 : memref<10000x128xf32, #tpu.memory_space<hbm>>) target(%arg13 : memref<128x128xf32, #tpu.memory_space<vmem>>) offsets(%arg7 : memref<128xi32, #tpu.memory_space<vmem>>) semaphore(%arg17 : memref<!tpu.dma_semaphore, #tpu.memory_space<semaphore_mem>>)
      %dma_wait3A_52 = arith.constant 0 : i32
      %dma_wait3A_53 = arith.constant 0 : i32
      %dma_wait3A_54 = tpu.memref_slice %arg2[%dma_wait3A_52, %dma_wait3A_53] : memref<10000x128xf32, #tpu.memory_space<hbm>> -> memref<10000x128xf32, #tpu.memory_space<hbm>>
      tpu.wait_indirect_dma semaphore(%arg18 : memref<!tpu.dma_semaphore, #tpu.memory_space<semaphore_mem>>) src(%dma_wait3A_54 : memref<10000x128xf32, #tpu.memory_space<hbm>>) dst(%arg14 : memref<128x128xf32, #tpu.memory_space<vmem>>)
      "tpu.region"() ({
        %run_scoped3A = tpu.sem_alloc : memref<!tpu.dma_semaphore, #tpu.memory_space<semaphore_mem>>
        %dma_start3A_55 = arith.constant 0 : i32
        %dma_start3A_56 = arith.constant 0 : i32
        %dma_start3A_57 = tpu.memref_slice %arg16[%dma_start3A_55, %dma_start3A_56] : memref<10240x128xf32, #tpu.memory_space<vmem_shared>> -> memref<10240x128xf32, #tpu.memory_space<vmem_shared>>
        tpu.enqueue_indirect_dma source(%arg14 : memref<128x128xf32, #tpu.memory_space<vmem>>) target(%dma_start3A_57 : memref<10240x128xf32, #tpu.memory_space<vmem_shared>>) offsets(%arg10 : memref<128xi32, #tpu.memory_space<vmem>>) semaphore(%run_scoped3A : memref<!tpu.dma_semaphore, #tpu.memory_space<semaphore_mem>>) {add = true}
        %dma_wait3A_58 = arith.constant 0 : i32
        %dma_wait3A_59 = arith.constant 0 : i32
        %dma_wait3A_60 = tpu.memref_slice %arg16[%dma_wait3A_58, %dma_wait3A_59] : memref<10240x128xf32, #tpu.memory_space<vmem_shared>> -> memref<10240x128xf32, #tpu.memory_space<vmem_shared>>
        tpu.wait_indirect_dma semaphore(%run_scoped3A : memref<!tpu.dma_semaphore, #tpu.memory_space<semaphore_mem>>) src(%arg14 : memref<128x128xf32, #tpu.memory_space<vmem>>) dst(%dma_wait3A_60 : memref<10240x128xf32, #tpu.memory_space<vmem_shared>>)
        tpu.yield
      }) : () -> ()
    }
    %scan3A_13 = arith.constant 19 : i32
    %dma_wait3A = arith.constant 0 : i32
    %dma_wait3A_14 = arith.constant 0 : i32
    %dma_wait3A_15 = tpu.memref_slice %arg2[%dma_wait3A, %dma_wait3A_14] : memref<10000x128xf32, #tpu.memory_space<hbm>> -> memref<10000x128xf32, #tpu.memory_space<hbm>>
    tpu.wait_indirect_dma semaphore(%arg17 : memref<!tpu.dma_semaphore, #tpu.memory_space<semaphore_mem>>) src(%dma_wait3A_15 : memref<10000x128xf32, #tpu.memory_space<hbm>>) dst(%arg13 : memref<128x128xf32, #tpu.memory_space<vmem>>)
    "tpu.region"() ({
      %run_scoped3A = tpu.sem_alloc : memref<!tpu.dma_semaphore, #tpu.memory_space<semaphore_mem>>
      %dma_start3A_26 = arith.constant 0 : i32
      %dma_start3A_27 = arith.constant 0 : i32
      %dma_start3A_28 = tpu.memref_slice %arg16[%dma_start3A_26, %dma_start3A_27] : memref<10240x128xf32, #tpu.memory_space<vmem_shared>> -> memref<10240x128xf32, #tpu.memory_space<vmem_shared>>
      tpu.enqueue_indirect_dma source(%arg13 : memref<128x128xf32, #tpu.memory_space<vmem>>) target(%dma_start3A_28 : memref<10240x128xf32, #tpu.memory_space<vmem_shared>>) offsets(%arg8 : memref<128xi32, #tpu.memory_space<vmem>>) semaphore(%run_scoped3A : memref<!tpu.dma_semaphore, #tpu.memory_space<semaphore_mem>>) {add = true}
      %dma_wait3A_29 = arith.constant 0 : i32
      %dma_wait3A_30 = arith.constant 0 : i32
      %dma_wait3A_31 = tpu.memref_slice %arg16[%dma_wait3A_29, %dma_wait3A_30] : memref<10240x128xf32, #tpu.memory_space<vmem_shared>> -> memref<10240x128xf32, #tpu.memory_space<vmem_shared>>
      tpu.wait_indirect_dma semaphore(%run_scoped3A : memref<!tpu.dma_semaphore, #tpu.memory_space<semaphore_mem>>) src(%arg13 : memref<128x128xf32, #tpu.memory_space<vmem>>) dst(%dma_wait3A_31 : memref<10240x128xf32, #tpu.memory_space<vmem_shared>>)
      tpu.yield
    }) : () -> ()
    %add3A_16 = arith.constant 4992 : i32
    %add3A_17 = arith.addi %add3A, %add3A_16 : i32
    %multiple_of3A_18 = tpu.assume_multiple %add3A_17, 8 : i32
    "tpu.region"() ({
      %run_scoped3A = tpu.sem_alloc : memref<!tpu.dma_semaphore, #tpu.memory_space<semaphore_mem>>
      %dma_start3A_26 = tpu.memref_slice %arg3[%multiple_of3A_18] : memref<160000xi32, #tpu.memory_space<hbm>> -> memref<8xi32, #tpu.memory_space<hbm>>
      %dma_start3A_27 = tpu.memref_slice %arg3[%multiple_of3A_18] : memref<160000xi32, #tpu.memory_space<hbm>> -> memref<8xi32, #tpu.memory_space<hbm>>
      tpu.enqueue_dma source(%dma_start3A_27 : memref<8xi32, #tpu.memory_space<hbm>>) target(%arg11 : memref<8xi32, #tpu.memory_space<vmem>>) target_semaphore(%run_scoped3A : memref<!tpu.dma_semaphore, #tpu.memory_space<semaphore_mem>>)
      %dma_wait3A_28 = tpu.memref_slice %arg3[%multiple_of3A_18] : memref<160000xi32, #tpu.memory_space<hbm>> -> memref<8xi32, #tpu.memory_space<hbm>>
      %dma_wait3A_29 = tpu.memref_slice %arg3[%multiple_of3A_18] : memref<160000xi32, #tpu.memory_space<hbm>> -> memref<8xi32, #tpu.memory_space<hbm>>
      tpu.wait_dma2 semaphore(%run_scoped3A : memref<!tpu.dma_semaphore, #tpu.memory_space<semaphore_mem>>) src(%dma_wait3A_29 : memref<8xi32, #tpu.memory_space<hbm>>) dst(%arg11 : memref<8xi32, #tpu.memory_space<vmem>>)
      tpu.yield
    }) : () -> ()
    "tpu.region"() ({
      %run_scoped3A = tpu.sem_alloc : memref<!tpu.dma_semaphore, #tpu.memory_space<semaphore_mem>>
      %dma_start3A_26 = tpu.memref_slice %arg4[%multiple_of3A_18] : memref<160000xi32, #tpu.memory_space<hbm>> -> memref<8xi32, #tpu.memory_space<hbm>>
      %dma_start3A_27 = tpu.memref_slice %arg4[%multiple_of3A_18] : memref<160000xi32, #tpu.memory_space<hbm>> -> memref<8xi32, #tpu.memory_space<hbm>>
      tpu.enqueue_dma source(%dma_start3A_27 : memref<8xi32, #tpu.memory_space<hbm>>) target(%arg12 : memref<8xi32, #tpu.memory_space<vmem>>) target_semaphore(%run_scoped3A : memref<!tpu.dma_semaphore, #tpu.memory_space<semaphore_mem>>)
      %dma_wait3A_28 = tpu.memref_slice %arg4[%multiple_of3A_18] : memref<160000xi32, #tpu.memory_space<hbm>> -> memref<8xi32, #tpu.memory_space<hbm>>
      %dma_wait3A_29 = tpu.memref_slice %arg4[%multiple_of3A_18] : memref<160000xi32, #tpu.memory_space<hbm>> -> memref<8xi32, #tpu.memory_space<hbm>>
      tpu.wait_dma2 semaphore(%run_scoped3A : memref<!tpu.dma_semaphore, #tpu.memory_space<semaphore_mem>>) src(%dma_wait3A_29 : memref<8xi32, #tpu.memory_space<hbm>>) dst(%arg12 : memref<8xi32, #tpu.memory_space<vmem>>)
      tpu.yield
    }) : () -> ()
    %dma_start3A_19 = arith.constant 0 : i32
    %dma_start3A_20 = arith.constant 0 : i32
    %dma_start3A_21 = tpu.memref_slice %arg2[%dma_start3A_19, %dma_start3A_20] : memref<10000x128xf32, #tpu.memory_space<hbm>> -> memref<10000x128xf32, #tpu.memory_space<hbm>>
    tpu.enqueue_indirect_dma source(%dma_start3A_21 : memref<10000x128xf32, #tpu.memory_space<hbm>>) target(%arg15 : memref<8x128xf32, #tpu.memory_space<vmem>>) offsets(%arg11 : memref<8xi32, #tpu.memory_space<vmem>>) semaphore(%arg17 : memref<!tpu.dma_semaphore, #tpu.memory_space<semaphore_mem>>)
    %dma_wait3A_22 = arith.constant 0 : i32
    %dma_wait3A_23 = arith.constant 0 : i32
    %dma_wait3A_24 = tpu.memref_slice %arg2[%dma_wait3A_22, %dma_wait3A_23] : memref<10000x128xf32, #tpu.memory_space<hbm>> -> memref<10000x128xf32, #tpu.memory_space<hbm>>
    tpu.wait_indirect_dma semaphore(%arg17 : memref<!tpu.dma_semaphore, #tpu.memory_space<semaphore_mem>>) src(%dma_wait3A_24 : memref<10000x128xf32, #tpu.memory_space<hbm>>) dst(%arg15 : memref<8x128xf32, #tpu.memory_space<vmem>>)
    "tpu.region"() ({
      %run_scoped3A = tpu.sem_alloc : memref<!tpu.dma_semaphore, #tpu.memory_space<semaphore_mem>>
      %dma_start3A_26 = arith.constant 0 : i32
      %dma_start3A_27 = arith.constant 0 : i32
      %dma_start3A_28 = tpu.memref_slice %arg16[%dma_start3A_26, %dma_start3A_27] : memref<10240x128xf32, #tpu.memory_space<vmem_shared>> -> memref<10240x128xf32, #tpu.memory_space<vmem_shared>>
      tpu.enqueue_indirect_dma source(%arg15 : memref<8x128xf32, #tpu.memory_space<vmem>>) target(%dma_start3A_28 : memref<10240x128xf32, #tpu.memory_space<vmem_shared>>) offsets(%arg12 : memref<8xi32, #tpu.memory_space<vmem>>) semaphore(%run_scoped3A : memref<!tpu.dma_semaphore, #tpu.memory_space<semaphore_mem>>) {add = true}
      %dma_wait3A_29 = arith.constant 0 : i32
      %dma_wait3A_30 = arith.constant 0 : i32
      %dma_wait3A_31 = tpu.memref_slice %arg16[%dma_wait3A_29, %dma_wait3A_30] : memref<10240x128xf32, #tpu.memory_space<vmem_shared>> -> memref<10240x128xf32, #tpu.memory_space<vmem_shared>>
      tpu.wait_indirect_dma semaphore(%run_scoped3A : memref<!tpu.dma_semaphore, #tpu.memory_space<semaphore_mem>>) src(%arg15 : memref<8x128xf32, #tpu.memory_space<vmem>>) dst(%dma_wait3A_31 : memref<10240x128xf32, #tpu.memory_space<vmem_shared>>)
      tpu.yield
    }) : () -> ()
    %barrier3A_25 = arith.constant 0 : index
    tpu.barrier barrier_id(%barrier3A_25)
    "tpu.region"() ({
      %run_scoped3A = tpu.sem_alloc : memref<!tpu.dma_semaphore, #tpu.memory_space<semaphore_mem>>
      %dma_start3A_26 = arith.constant 0 : i32
      %dma_start3A_27 = tpu.memref_slice %arg6[%arg0, %mul3A_0, %dma_start3A_26] : memref<2x10240x128xf32, #tpu.memory_space<hbm>> -> memref<1x640x128xf32, #tpu.memory_space<hbm>>
      %dma_start3A_28 = tpu.memref_squeeze %dma_start3A_27 : memref<1x640x128xf32, #tpu.memory_space<hbm>> -> memref<640x128xf32, #tpu.memory_space<hbm>>
      %dma_start3A_29 = arith.constant 0 : i32
      %dma_start3A_30 = tpu.memref_slice %arg16[%mul3A_0, %dma_start3A_29] : memref<10240x128xf32, #tpu.memory_space<vmem_shared>> -> memref<640x128xf32, #tpu.memory_space<vmem_shared>>
      tpu.enqueue_dma source(%dma_start3A_30 : memref<640x128xf32, #tpu.memory_space<vmem_shared>>) target(%dma_start3A_28 : memref<640x128xf32, #tpu.memory_space<hbm>>) target_semaphore(%run_scoped3A : memref<!tpu.dma_semaphore, #tpu.memory_space<semaphore_mem>>)
      %dma_wait3A_31 = arith.constant 0 : i32
      %dma_wait3A_32 = tpu.memref_slice %arg6[%arg0, %mul3A_0, %dma_wait3A_31] : memref<2x10240x128xf32, #tpu.memory_space<hbm>> -> memref<1x640x128xf32, #tpu.memory_space<hbm>>
      %dma_wait3A_33 = tpu.memref_squeeze %dma_wait3A_32 : memref<1x640x128xf32, #tpu.memory_space<hbm>> -> memref<640x128xf32, #tpu.memory_space<hbm>>
      %dma_wait3A_34 = arith.constant 0 : i32
      %dma_wait3A_35 = tpu.memref_slice %arg16[%mul3A_0, %dma_wait3A_34] : memref<10240x128xf32, #tpu.memory_space<vmem_shared>> -> memref<640x128xf32, #tpu.memory_space<vmem_shared>>
      tpu.wait_dma2 semaphore(%run_scoped3A : memref<!tpu.dma_semaphore, #tpu.memory_space<semaphore_mem>>) src(%dma_wait3A_35 : memref<640x128xf32, #tpu.memory_space<vmem_shared>>) dst(%dma_wait3A_33 : memref<640x128xf32, #tpu.memory_space<hbm>>)
      tpu.yield
    }) : () -> ()
    return
  }
}

module attributes {stable_mosaic.version = 14 : i64} {
  func.func @body(%arg0: i32, %arg1: memref<400x256xf32, #tpu.memory_space<vmem>>, %arg2: memref<1x1x400x128xf32, #tpu.memory_space<vmem>>, %arg3: memref<1x1x400x128xf32, #tpu.memory_space<vmem>>, %arg4: memref<1x1x400x128xf32, #tpu.memory_space<vmem>>, %arg5: memref<1x1x400x128xf32, #tpu.memory_space<vmem>>, %arg6: memref<1x400x128xf32, #tpu.memory_space<vmem>>, %arg7: memref<1x400x128xf32, #tpu.memory_space<vmem>>, %arg8: memref<256x256xf32, #tpu.memory_space<vmem>>, %arg9: memref<256x256xf32, #tpu.memory_space<vmem>>, %arg10: memref<1x256xf32, #tpu.memory_space<vmem>>, %arg11: memref<256x128xf32, #tpu.memory_space<vmem>>, %arg12: memref<256x128xf32, #tpu.memory_space<vmem>>, %arg13: memref<1x128xf32, #tpu.memory_space<vmem>>, %arg14: memref<400x128xf32, #tpu.memory_space<vmem>>, %arg15: memref<400x128xf32, #tpu.memory_space<vmem>>) attributes {dimension_semantics = [#tpu.dimension_semantics<arbitrary>], iteration_bounds = array<i64: 25>, scalar_prefetch = 0 : i64, scratch_operands = 0 : i64, tpu.core_type = #tpu.core_type<tc>, window_params = [{transform_indices = @transform_0, window_bounds = array<i64: 400, 256>}, {transform_indices = @transform_1, window_bounds = array<i64: 1, 1, 400, 128>}, {transform_indices = @transform_2, window_bounds = array<i64: 1, 1, 400, 128>}, {transform_indices = @transform_3, window_bounds = array<i64: 1, 1, 400, 128>}, {transform_indices = @transform_4, window_bounds = array<i64: 1, 1, 400, 128>}, {transform_indices = @transform_5, window_bounds = array<i64: 1, 400, 128>}, {transform_indices = @transform_6, window_bounds = array<i64: 1, 400, 128>}, {pipeline_mode = #tpu.pipeline_mode<synchronous>, transform_indices = @transform_7, window_bounds = array<i64: 256, 256>}, {pipeline_mode = #tpu.pipeline_mode<synchronous>, transform_indices = @transform_8, window_bounds = array<i64: 256, 256>}, {pipeline_mode = #tpu.pipeline_mode<synchronous>, transform_indices = @transform_9, window_bounds = array<i64: 1, 256>}, {pipeline_mode = #tpu.pipeline_mode<synchronous>, transform_indices = @transform_10, window_bounds = array<i64: 256, 128>}, {pipeline_mode = #tpu.pipeline_mode<synchronous>, transform_indices = @transform_11, window_bounds = array<i64: 256, 128>}, {pipeline_mode = #tpu.pipeline_mode<synchronous>, transform_indices = @transform_12, window_bounds = array<i64: 1, 128>}, {transform_indices = @transform_13, window_bounds = array<i64: 400, 128>}, {transform_indices = @transform_14, window_bounds = array<i64: 400, 128>}]} {
    %get3A = arith.constant 0 : index
    %get3A_0 = arith.constant 0 : index
    %get3A_1 = arith.constant 0 : index
    %get3A_2 = vector.load %arg6[%get3A, %get3A_0, %get3A_1] : memref<1x400x128xf32, #tpu.memory_space<vmem>>, vector<1x400x128xf32>
    %get3A_3 = arith.constant 0 : index
    %get3A_4 = arith.constant 0 : index
    %get3A_5 = arith.constant 0 : index
    %get3A_6 = vector.load %arg7[%get3A_3, %get3A_4, %get3A_5] : memref<1x400x128xf32, #tpu.memory_space<vmem>>, vector<1x400x128xf32>
    %add3A = arith.addf %get3A_2, %get3A_6 : vector<1x400x128xf32>
    %reshape3A = vector.shape_cast %add3A : vector<1x400x128xf32> to vector<400x128xf32>
    %slice3A = vector.extract_strided_slice %reshape3A {offsets = [0, 0], sizes = [400, 1], strides = [1, 1]} : vector<400x128xf32> to vector<400x1xf32>
    %max3A = arith.constant 1.000000e+00 : f32
    %max3A_7 = vector.broadcast %max3A : f32 to vector<400x1xf32>
    %max3A_8 = arith.maximumf %slice3A, %max3A_7 : vector<400x1xf32>
    %div3A = arith.constant 1.000000e+00 : f32
    %div3A_9 = vector.broadcast %div3A : f32 to vector<400x1xf32>
    %div3A_10 = arith.divf %div3A_9, %max3A_8 : vector<400x1xf32>
    %get3A_11 = arith.constant 0 : index
    %get3A_12 = arith.constant 0 : index
    %get3A_13 = arith.constant 0 : index
    %get3A_14 = arith.constant 0 : index
    %get3A_15 = vector.load %arg2[%get3A_11, %get3A_12, %get3A_13, %get3A_14] : memref<1x1x400x128xf32, #tpu.memory_space<vmem>>, vector<1x1x400x128xf32>
    %get3A_16 = arith.constant 0 : index
    %get3A_17 = arith.constant 0 : index
    %get3A_18 = arith.constant 0 : index
    %get3A_19 = arith.constant 0 : index
    %get3A_20 = vector.load %arg3[%get3A_16, %get3A_17, %get3A_18, %get3A_19] : memref<1x1x400x128xf32, #tpu.memory_space<vmem>>, vector<1x1x400x128xf32>
    %add3A_21 = arith.addf %get3A_15, %get3A_20 : vector<1x1x400x128xf32>
    %reshape3A_22 = vector.shape_cast %add3A_21 : vector<1x1x400x128xf32> to vector<400x128xf32>
    %mul3A = vector.broadcast %div3A_10 : vector<400x1xf32> to vector<400x128xf32>
    %mul3A_23 = arith.mulf %reshape3A_22, %mul3A : vector<400x128xf32>
    %get3A_24 = arith.constant 0 : index
    %get3A_25 = arith.constant 0 : index
    %get3A_26 = arith.constant 0 : index
    %get3A_27 = arith.constant 0 : index
    %get3A_28 = vector.load %arg4[%get3A_24, %get3A_25, %get3A_26, %get3A_27] : memref<1x1x400x128xf32, #tpu.memory_space<vmem>>, vector<1x1x400x128xf32>
    %get3A_29 = arith.constant 0 : index
    %get3A_30 = arith.constant 0 : index
    %get3A_31 = arith.constant 0 : index
    %get3A_32 = arith.constant 0 : index
    %get3A_33 = vector.load %arg5[%get3A_29, %get3A_30, %get3A_31, %get3A_32] : memref<1x1x400x128xf32, #tpu.memory_space<vmem>>, vector<1x1x400x128xf32>
    %add3A_34 = arith.addf %get3A_28, %get3A_33 : vector<1x1x400x128xf32>
    %reshape3A_35 = vector.shape_cast %add3A_34 : vector<1x1x400x128xf32> to vector<400x128xf32>
    %mul3A_36 = vector.broadcast %div3A_10 : vector<400x1xf32> to vector<400x128xf32>
    %mul3A_37 = arith.mulf %reshape3A_35, %mul3A_36 : vector<400x128xf32>
    %get3A_38 = arith.constant 0 : index
    %get3A_39 = arith.constant 0 : index
    %get3A_40 = vector.load %arg1[%get3A_38, %get3A_39] : memref<400x256xf32, #tpu.memory_space<vmem>>, vector<400x256xf32>
    %get3A_41 = arith.constant 0 : index
    %get3A_42 = arith.constant 0 : index
    %get3A_43 = vector.load %arg8[%get3A_41, %get3A_42] : memref<256x256xf32, #tpu.memory_space<vmem>>, vector<256x256xf32>
    %dot_general3A = arith.constant dense<0.000000e+00> : vector<400x256xf32>
    %dot_general3A_44 = tpu.matmul %get3A_40, %get3A_43, %dot_general3A {dimension_numbers = #tpu.dot_dimension_numbers<[1], [0], [0], [1], [0, 0, 1, 1], [], []>, transpose_lhs_hint = false} : vector<400x256xf32>, vector<256x256xf32>, vector<400x256xf32> -> vector<400x256xf32>
    %get3A_45 = arith.constant 0 : index
    %get3A_46 = arith.constant 0 : index
    %get3A_47 = vector.load %arg9[%get3A_45, %get3A_46] : memref<256x256xf32, #tpu.memory_space<vmem>>, vector<128x256xf32>
    %dot_general3A_48 = arith.constant dense<0.000000e+00> : vector<400x256xf32>
    %dot_general3A_49 = tpu.matmul %mul3A_23, %get3A_47, %dot_general3A_48 {dimension_numbers = #tpu.dot_dimension_numbers<[1], [0], [0], [1], [0, 0, 1, 1], [], []>, transpose_lhs_hint = false} : vector<400x128xf32>, vector<128x256xf32>, vector<400x256xf32> -> vector<400x256xf32>
    %add3A_50 = arith.addf %dot_general3A_44, %dot_general3A_49 : vector<400x256xf32>
    %get3A_51 = arith.constant 128 : index
    %get3A_52 = arith.constant 0 : index
    %get3A_53 = vector.load %arg9[%get3A_51, %get3A_52] : memref<256x256xf32, #tpu.memory_space<vmem>>, vector<128x256xf32>
    %dot_general3A_54 = arith.constant dense<0.000000e+00> : vector<400x256xf32>
    %dot_general3A_55 = tpu.matmul %mul3A_37, %get3A_53, %dot_general3A_54 {dimension_numbers = #tpu.dot_dimension_numbers<[1], [0], [0], [1], [0, 0, 1, 1], [], []>, transpose_lhs_hint = false} : vector<400x128xf32>, vector<128x256xf32>, vector<400x256xf32> -> vector<400x256xf32>
    %add3A_56 = arith.addf %add3A_50, %dot_general3A_55 : vector<400x256xf32>
    %get3A_57 = arith.constant 0 : index
    %get3A_58 = arith.constant 0 : index
    %get3A_59 = vector.load %arg10[%get3A_57, %get3A_58] : memref<1x256xf32, #tpu.memory_space<vmem>>, vector<1x256xf32>
    %add3A_60 = vector.broadcast %get3A_59 : vector<1x256xf32> to vector<400x256xf32>
    %add3A_61 = arith.addf %add3A_56, %add3A_60 : vector<400x256xf32>
    %tanh3A = math.tanh %add3A_61 : vector<400x256xf32>
    %get3A_62 = arith.constant 0 : index
    %get3A_63 = arith.constant 0 : index
    %get3A_64 = vector.load %arg12[%get3A_62, %get3A_63] : memref<256x128xf32, #tpu.memory_space<vmem>>, vector<256x128xf32>
    %dot_general3A_65 = arith.constant dense<0.000000e+00> : vector<400x128xf32>
    %dot_general3A_66 = tpu.matmul %tanh3A, %get3A_64, %dot_general3A_65 {dimension_numbers = #tpu.dot_dimension_numbers<[1], [0], [0], [1], [0, 0, 1, 1], [], []>, transpose_lhs_hint = false} : vector<400x256xf32>, vector<256x128xf32>, vector<400x128xf32> -> vector<400x128xf32>
    %swap3A = arith.constant 0 : index
    %swap3A_67 = arith.constant 0 : index
    %swap3A_68 = vector.load %arg14[%swap3A, %swap3A_67] : memref<400x128xf32, #tpu.memory_space<vmem>>, vector<400x128xf32>
    tpu.vector_store %arg14[%swap3A, %swap3A_67], %dot_general3A_66 {strides = array<i32>} : memref<400x128xf32, #tpu.memory_space<vmem>>, vector<400x128xf32>,
    %get3A_69 = arith.constant 0 : index
    %get3A_70 = arith.constant 0 : index
    %get3A_71 = vector.load %arg11[%get3A_69, %get3A_70] : memref<256x128xf32, #tpu.memory_space<vmem>>, vector<256x128xf32>
    %dot_general3A_72 = arith.constant dense<0.000000e+00> : vector<400x128xf32>
    %dot_general3A_73 = tpu.matmul %tanh3A, %get3A_71, %dot_general3A_72 {dimension_numbers = #tpu.dot_dimension_numbers<[1], [0], [0], [1], [0, 0, 1, 1], [], []>, transpose_lhs_hint = false} : vector<400x256xf32>, vector<256x128xf32>, vector<400x128xf32> -> vector<400x128xf32>
    %get3A_74 = arith.constant 0 : index
    %get3A_75 = arith.constant 0 : index
    %get3A_76 = vector.load %arg13[%get3A_74, %get3A_75] : memref<1x128xf32, #tpu.memory_space<vmem>>, vector<1x128xf32>
    %add3A_77 = vector.broadcast %get3A_76 : vector<1x128xf32> to vector<400x128xf32>
    %add3A_78 = arith.addf %dot_general3A_73, %add3A_77 : vector<400x128xf32>
    %swap3A_79 = arith.constant 0 : index
    %swap3A_80 = arith.constant 0 : index
    %swap3A_81 = vector.load %arg15[%swap3A_79, %swap3A_80] : memref<400x128xf32, #tpu.memory_space<vmem>>, vector<400x128xf32>
    tpu.vector_store %arg15[%swap3A_79, %swap3A_80], %add3A_78 {strides = array<i32>} : memref<400x128xf32, #tpu.memory_space<vmem>>, vector<400x128xf32>,
    return
  }
  func.func @transform_0(%arg0: i32) -> (i32, i32) {
    %c0_i32 = arith.constant 0 : i32
    %c0_i32_0 = arith.constant 0 : i32
    return %arg0, %c0_i32 : i32, i32
  }
  func.func @transform_1(%arg0: i32) -> (i32, i32, i32, i32) {
    %c0_i32 = arith.constant 0 : i32
    %c0_i32_0 = arith.constant 0 : i32
    %c0_i32_1 = arith.constant 0 : i32
    %c0_i32_2 = arith.constant 0 : i32
    return %c0_i32, %c0_i32_0, %arg0, %c0_i32_1 : i32, i32, i32, i32
  }
  func.func @transform_2(%arg0: i32) -> (i32, i32, i32, i32) {
    %c1_i32 = arith.constant 1 : i32
    %c0_i32 = arith.constant 0 : i32
    %c0_i32_0 = arith.constant 0 : i32
    %c0_i32_1 = arith.constant 0 : i32
    return %c1_i32, %c0_i32, %arg0, %c0_i32_0 : i32, i32, i32, i32
  }
  func.func @transform_3(%arg0: i32) -> (i32, i32, i32, i32) {
    %c0_i32 = arith.constant 0 : i32
    %c1_i32 = arith.constant 1 : i32
    %c0_i32_0 = arith.constant 0 : i32
    %c0_i32_1 = arith.constant 0 : i32
    return %c0_i32, %c1_i32, %arg0, %c0_i32_0 : i32, i32, i32, i32
  }
  func.func @transform_4(%arg0: i32) -> (i32, i32, i32, i32) {
    %c1_i32 = arith.constant 1 : i32
    %c1_i32_0 = arith.constant 1 : i32
    %c0_i32 = arith.constant 0 : i32
    %c0_i32_1 = arith.constant 0 : i32
    return %c1_i32, %c1_i32_0, %arg0, %c0_i32 : i32, i32, i32, i32
  }
  func.func @transform_5(%arg0: i32) -> (i32, i32, i32) {
    %c0_i32 = arith.constant 0 : i32
    %c0_i32_0 = arith.constant 0 : i32
    %c0_i32_1 = arith.constant 0 : i32
    return %c0_i32, %arg0, %c0_i32_0 : i32, i32, i32
  }
  func.func @transform_6(%arg0: i32) -> (i32, i32, i32) {
    %c1_i32 = arith.constant 1 : i32
    %c0_i32 = arith.constant 0 : i32
    %c0_i32_0 = arith.constant 0 : i32
    return %c1_i32, %arg0, %c0_i32 : i32, i32, i32
  }
  func.func @transform_7(%arg0: i32) -> (i32, i32) {
    %c0_i32 = arith.constant 0 : i32
    %c0_i32_0 = arith.constant 0 : i32
    %c0_i32_1 = arith.constant 0 : i32
    return %c0_i32, %c0_i32_0 : i32, i32
  }
  func.func @transform_8(%arg0: i32) -> (i32, i32) {
    %c0_i32 = arith.constant 0 : i32
    %c0_i32_0 = arith.constant 0 : i32
    %c0_i32_1 = arith.constant 0 : i32
    return %c0_i32, %c0_i32_0 : i32, i32
  }
  func.func @transform_9(%arg0: i32) -> (i32, i32) {
    %c0_i32 = arith.constant 0 : i32
    %c0_i32_0 = arith.constant 0 : i32
    %c0_i32_1 = arith.constant 0 : i32
    return %c0_i32, %c0_i32_0 : i32, i32
  }
  func.func @transform_10(%arg0: i32) -> (i32, i32) {
    %c0_i32 = arith.constant 0 : i32
    %c0_i32_0 = arith.constant 0 : i32
    %c0_i32_1 = arith.constant 0 : i32
    return %c0_i32, %c0_i32_0 : i32, i32
  }
  func.func @transform_11(%arg0: i32) -> (i32, i32) {
    %c0_i32 = arith.constant 0 : i32
    %c0_i32_0 = arith.constant 0 : i32
    %c0_i32_1 = arith.constant 0 : i32
    return %c0_i32, %c0_i32_0 : i32, i32
  }
  func.func @transform_12(%arg0: i32) -> (i32, i32) {
    %c0_i32 = arith.constant 0 : i32
    %c0_i32_0 = arith.constant 0 : i32
    %c0_i32_1 = arith.constant 0 : i32
    return %c0_i32, %c0_i32_0 : i32, i32
  }
  func.func @transform_13(%arg0: i32) -> (i32, i32) {
    %c0_i32 = arith.constant 0 : i32
    %c0_i32_0 = arith.constant 0 : i32
    return %arg0, %c0_i32 : i32, i32
  }
  func.func @transform_14(%arg0: i32) -> (i32, i32) {
    %c0_i32 = arith.constant 0 : i32
    %c0_i32_0 = arith.constant 0 : i32
    return %arg0, %c0_i32 : i32, i32
  }
}

module attributes {stable_mosaic.version = 14 : i64} {
  func.func @body(%arg0: i32, %arg1: memref<1000x128xf32, #tpu.memory_space<vmem>>, %arg2: memref<1x1000x128xf32, #tpu.memory_space<vmem>>, %arg3: memref<1x1000x128xf32, #tpu.memory_space<vmem>>, %arg4: memref<1x1000x128xf32, #tpu.memory_space<vmem>>, %arg5: memref<1x1000x128xf32, #tpu.memory_space<vmem>>, %arg6: memref<1000x128xf32, #tpu.memory_space<vmem>>) attributes {dimension_semantics = [#tpu.dimension_semantics<arbitrary>], iteration_bounds = array<i64: 10>, scalar_prefetch = 0 : i64, scratch_operands = 0 : i64, tpu.core_type = #tpu.core_type<tc>, window_params = [{transform_indices = @transform_0, window_bounds = array<i64: 1000, 128>}, {transform_indices = @transform_1, window_bounds = array<i64: 1, 1000, 128>}, {transform_indices = @transform_2, window_bounds = array<i64: 1, 1000, 128>}, {transform_indices = @transform_3, window_bounds = array<i64: 1, 1000, 128>}, {transform_indices = @transform_4, window_bounds = array<i64: 1, 1000, 128>}, {transform_indices = @transform_5, window_bounds = array<i64: 1000, 128>}]} {
    %get3A = arith.constant 0 : index
    %get3A_0 = arith.constant 0 : index
    %get3A_1 = arith.constant 0 : index
    %get3A_2 = vector.load %arg4[%get3A, %get3A_0, %get3A_1] : memref<1x1000x128xf32, #tpu.memory_space<vmem>>, vector<1x1000x128xf32>
    %get3A_3 = arith.constant 0 : index
    %get3A_4 = arith.constant 0 : index
    %get3A_5 = arith.constant 0 : index
    %get3A_6 = vector.load %arg5[%get3A_3, %get3A_4, %get3A_5] : memref<1x1000x128xf32, #tpu.memory_space<vmem>>, vector<1x1000x128xf32>
    %add3A = arith.addf %get3A_2, %get3A_6 : vector<1x1000x128xf32>
    %reshape3A = vector.shape_cast %add3A : vector<1x1000x128xf32> to vector<1000x128xf32>
    %slice3A = vector.extract_strided_slice %reshape3A {offsets = [0, 0], sizes = [1000, 1], strides = [1, 1]} : vector<1000x128xf32> to vector<1000x1xf32>
    %max3A = arith.constant 1.000000e+00 : f32
    %max3A_7 = vector.broadcast %max3A : f32 to vector<1000x1xf32>
    %max3A_8 = arith.maximumf %slice3A, %max3A_7 : vector<1000x1xf32>
    %div3A = arith.constant 1.000000e+00 : f32
    %div3A_9 = vector.broadcast %div3A : f32 to vector<1000x1xf32>
    %div3A_10 = arith.divf %div3A_9, %max3A_8 : vector<1000x1xf32>
    %get3A_11 = arith.constant 0 : index
    %get3A_12 = arith.constant 0 : index
    %get3A_13 = arith.constant 0 : index
    %get3A_14 = vector.load %arg2[%get3A_11, %get3A_12, %get3A_13] : memref<1x1000x128xf32, #tpu.memory_space<vmem>>, vector<1x1000x128xf32>
    %get3A_15 = arith.constant 0 : index
    %get3A_16 = arith.constant 0 : index
    %get3A_17 = arith.constant 0 : index
    %get3A_18 = vector.load %arg3[%get3A_15, %get3A_16, %get3A_17] : memref<1x1000x128xf32, #tpu.memory_space<vmem>>, vector<1x1000x128xf32>
    %add3A_19 = arith.addf %get3A_14, %get3A_18 : vector<1x1000x128xf32>
    %reshape3A_20 = vector.shape_cast %add3A_19 : vector<1x1000x128xf32> to vector<1000x128xf32>
    %get3A_21 = arith.constant 0 : index
    %get3A_22 = arith.constant 0 : index
    %get3A_23 = vector.load %arg1[%get3A_21, %get3A_22] : memref<1000x128xf32, #tpu.memory_space<vmem>>, vector<1000x128xf32>
    %mul3A = vector.broadcast %div3A_10 : vector<1000x1xf32> to vector<1000x128xf32>
    %mul3A_24 = arith.mulf %reshape3A_20, %mul3A : vector<1000x128xf32>
    %add3A_25 = arith.addf %get3A_23, %mul3A_24 : vector<1000x128xf32>
    %swap3A = arith.constant 0 : index
    %swap3A_26 = arith.constant 0 : index
    %swap3A_27 = vector.load %arg6[%swap3A, %swap3A_26] : memref<1000x128xf32, #tpu.memory_space<vmem>>, vector<1000x128xf32>
    tpu.vector_store %arg6[%swap3A, %swap3A_26], %add3A_25 {strides = array<i32>} : memref<1000x128xf32, #tpu.memory_space<vmem>>, vector<1000x128xf32>,
    return
  }
  func.func @transform_0(%arg0: i32) -> (i32, i32) {
    %c0_i32 = arith.constant 0 : i32
    %c0_i32_0 = arith.constant 0 : i32
    return %arg0, %c0_i32 : i32, i32
  }
  func.func @transform_1(%arg0: i32) -> (i32, i32, i32) {
    %c0_i32 = arith.constant 0 : i32
    %c0_i32_0 = arith.constant 0 : i32
    %c0_i32_1 = arith.constant 0 : i32
    return %c0_i32, %arg0, %c0_i32_0 : i32, i32, i32
  }
  func.func @transform_2(%arg0: i32) -> (i32, i32, i32) {
    %c1_i32 = arith.constant 1 : i32
    %c0_i32 = arith.constant 0 : i32
    %c0_i32_0 = arith.constant 0 : i32
    return %c1_i32, %arg0, %c0_i32 : i32, i32, i32
  }
  func.func @transform_3(%arg0: i32) -> (i32, i32, i32) {
    %c0_i32 = arith.constant 0 : i32
    %c0_i32_0 = arith.constant 0 : i32
    %c0_i32_1 = arith.constant 0 : i32
    return %c0_i32, %arg0, %c0_i32_0 : i32, i32, i32
  }
  func.func @transform_4(%arg0: i32) -> (i32, i32, i32) {
    %c1_i32 = arith.constant 1 : i32
    %c0_i32 = arith.constant 0 : i32
    %c0_i32_0 = arith.constant 0 : i32
    return %c1_i32, %arg0, %c0_i32 : i32, i32, i32
  }
  func.func @transform_5(%arg0: i32) -> (i32, i32) {
    %c0_i32 = arith.constant 0 : i32
    %c0_i32_0 = arith.constant 0 : i32
    return %arg0, %c0_i32 : i32, i32
  }
}

</mosaic_0001>

<sc_bundles>
// kernel: kernel.6.cloned.1.call-start
scs
__scs_entry_jumppad:
0x0: {  	(pc) =	sbr.rel $0x88, $3  }
0x1: {  	(tag) =	ssettag $0x0;
	lr =	simm.s32 $0x1  }
0x2: {  	[smem:$0x3F99] =	sst lr;
	_ =	strace $0xD0000000  }
0x3: {  	_ = 	snop  }
0x4: {  	_ = 	snop  }
0x5: {  	_ = 	snop  }
0x6: {  	_ = 	snop  }
0x7: {  	_ = 	snop  }
__scs_overlays_trampoline_lowered:
0x8: {  	[smem:$0x3FA8] =	sst s0  }
0x9: {  	[smem:$0x3FA9] =	sst s1  }
0xa: {  	[smem:$0x3FAA] =	sst s2  }
0xb: {  	[smem:$0x3FAB] =	sst s3  }
0xc: {  	[smem:$0x3FAC] =	sst s4  }
0xd: {  	[smem:$0x3FAD] =	sst s5  }
0xe: {  	[smem:$0x3FAE] =	sst s6  }
0xf: {  	[smem:$0x3FAF] =	sst s7  }
0x10: {  	[smem:$0x3FB0] =	sst s8  }
0x11: {  	[smem:$0x3FB1] =	sst s9;
	s0 =	simm.s32 @!p0 $0x0  }
0x12: {  	s1 =	sld [smem:$0x3F97];
	s0 =	simm.s32 @p0 $0x1  }
0x13: {  	[smem:$0x3FB2] =	sst s0;
	s0 =	simm.s32 @!p1 $0x0  }
0x14: {  	s2 =	sld [smem:$0x3F96];
	s0 =	simm.s32 @p1 $0x1  }
0x15: {  	[smem:$0x3FB3] =	sst s0;
	s0 =	simm.s32 @!p2 $0x0  }
0x16: {  	s3 =	sld [smem:$0x3FDB];
	s0 =	simm.s32 @p2 $0x1  }
0x17: {  	s4 =	simm.s32 $0x1BF5;
	[smem:$0x3FB5] =	sst s0  }
0x18: {  	s0 =	sld [smem:$0x3F98];
	_ =	swait.ge [sflag:s4], $0x0  }
0x19: {  	s7 =	sld [smem:$0x3F99]  }
0x1a: {  	s8 =	sadd.s32 $0xFFFFE003, lr  }
0x1b: {  	s9 =	sadd.s32 $0xFFFFFEF7, lr;
	s5 =	simm.s32 $0xFFFFFFFF;
	p2 =	slt.u32 s8, $0xFFFFF086  }
0x1c: {  	p1 =	slt.u32 s9, $0xF7A;
	s5 =	simm.s32 @!p2 $0x0  }
0x1d: {  	s5 =	simm.s32 @p1 $0x1;
	p0 =	seq.s32 s7, s2  }
0x1e: {  	s7 =	smul.u32 @!p0 $0xF7A, s2;
	p2 =	seq.s32 @!p0 s5, $0x0  }
0x1f: {  	s9 =	smul.u32 $0xF7A, s1;
	s8 =	simm.s32 @!p0 $0x1BF5;
	p2 =	por !p2, p0  }
0x20: {  	[sflag:s8] =	ssyncset.s32 @!p0 $0xFFFFF086;
	s6 =	sadd.s32 @!p0 s3, s7;
	s7 =	simm.s32 @!p0 $0x108  }
0x21: {  	s3 =	sadd.s32 s3, s9;
	s6 =	sadd.s32 @!p0 $0x88, s6;
	s7 =	simm.s32 @p2 $0x1082  }
0x22: {  	[simem:s7], [sflag:s8] =	dma.local @!p0 [hbm:s6], $0xF7A  }
0x23: {  	s9 =	sor.u32 $0xD0000000, s2;
	s6 =	simm.s32 $0x108;
	_ =	swait.ge @!p0 [sflag:s8], $0x0  }
0x24: {  	s3 =	sadd.s32 $0x88, s3;
	s6 =	simm.s32 @!p1 $0x1082;
	[sflag:s4] =	ssyncset.s32 $0xFFFFF086  }
0x25: {  	[simem:s6], [sflag:s4] =	dma.local [hbm:s3], $0xF7A  }
0x26: {  	[smem:$0x3F99] =	sst s1;
	(tag) =	ssettag s2;
	_ =	strace s9  }
0x27: {  	s1 =	sld [smem:$0x3FA9]  }
0x28: {  	s2 =	sld [smem:$0x3FAA]  }
0x29: {  	s4 =	sld [smem:$0x3FAC]  }
0x2a: {  	p0 =	seq.s32 s5, $0x0;
	s5 =	sld [smem:$0x3FAD]  }
0x2b: {  	s6 =	sld [smem:$0x3FAE]  }
0x2c: {  	s7 =	sld [smem:$0x3FAF]  }
0x2d: {  	s3 =	simm.s32 $0x108;
	s8 =	sld [smem:$0x3FB0]  }
0x2e: {  	s3 =	simm.s32 @!p0 $0x1082;
	s9 =	sld [smem:$0x3FB1]  }
0x2f: {  	lr =	sadd.s32 s0, s3;
	s0 =	sld [smem:$0x3FA8]  }
0x30: {  	s3 =	sld [smem:$0x3FAB]  }
0x31: {  	[smem:$0x3FB4] =	sst s10  }
0x32: {  	s10 =	sld [smem:$0x3FB2];
	_ =	sdelay $0x3  }
0x33: {  	p0 =	seq.s32 s10, $0x1;
	s10 =	sld [smem:$0x3FB4];
	_ =	sdelay $0x3  }
0x34: {  	[smem:$0x3FB4] =	sst s10  }
0x35: {  	s10 =	sld [smem:$0x3FB3];
	_ =	sdelay $0x3  }
0x36: {  	p1 =	seq.s32 s10, $0x1;
	s10 =	sld [smem:$0x3FB4];
	_ =	sdelay $0x3  }
0x37: {  	[smem:$0x3FB4] =	sst s10  }
0x38: {  	s10 =	sld [smem:$0x3FB5]  }
0x39: {  	_ = 	snop;
	(pc) =	sbr.ind lr, $3  }
0x3a: {  	_ = 	snop  }
0x3b: {  	_ = 	snop  }
0x3c: {  	p2 =	seq.s32 s10, $0x1;
	s10 =	sld [smem:$0x3FB4]  }
0x3d: {  	_ =	shalt  }
0x3e: {  	_ =	shalt  }
0x3f: {  	_ =	shalt  }
0x40: {  	_ =	shalt  }
0x41: {  	_ =	shalt  }
0x42: {  	_ =	shalt  }
0x43: {  	_ =	shalt  }
0x44: {  	_ =	shalt  }
0x45: {  	_ =	shalt  }
0x46: {  	_ =	shalt  }
0x47: {  	_ =	shalt  }
0x48: {  	_ =	shalt  }
0x49: {  	_ =	shalt  }
0x4a: {  	_ =	shalt  }
0x4b: {  	_ =	shalt  }
0x4c: {  	_ =	shalt  }
0x4d: {  	_ =	shalt  }
0x4e: {  	_ =	shalt  }
0x4f: {  	_ =	shalt  }
0x50: {  	_ =	shalt  }
0x51: {  	_ =	shalt  }
0x52: {  	_ =	shalt  }
0x53: {  	_ =	shalt  }
0x54: {  	_ =	shalt  }
0x55: {  	_ =	shalt  }
0x56: {  	_ =	shalt  }
0x57: {  	_ =	shalt  }
0x58: {  	_ =	shalt  }
0x59: {  	_ =	shalt  }
0x5a: {  	_ =	shalt  }
0x5b: {  	_ =	shalt  }
0x5c: {  	_ =	shalt  }
0x5d: {  	_ =	shalt  }
0x5e: {  	_ =	shalt  }
0x5f: {  	_ =	shalt  }
0x60: {  	_ =	shalt  }
0x61: {  	_ =	shalt  }
0x62: {  	_ =	shalt  }
0x63: {  	_ =	shalt  }
0x64: {  	_ =	shalt  }
0x65: {  	_ =	shalt  }
0x66: {  	_ =	shalt  }
0x67: {  	_ =	shalt  }
0x68: {  	_ =	shalt  }
0x69: {  	_ =	shalt  }
0x6a: {  	_ =	shalt  }
0x6b: {  	_ =	shalt  }
0x6c: {  	_ =	shalt  }
0x6d: {  	_ =	shalt  }
0x6e: {  	_ =	shalt  }
0x6f: {  	_ =	shalt  }
0x70: {  	_ =	shalt  }
0x71: {  	_ =	shalt  }
0x72: {  	_ =	shalt  }
0x73: {  	_ =	shalt  }
0x74: {  	_ =	shalt  }
0x75: {  	_ =	shalt  }
0x76: {  	_ =	shalt  }
0x77: {  	_ =	shalt  }
0x78: {  	_ =	shalt  }
0x79: {  	_ =	shalt  }
0x7a: {  	_ =	shalt  }
0x7b: {  	_ =	shalt  }
0x7c: {  	_ =	shalt  }
0x7d: {  	_ =	shalt  }
0x7e: {  	_ =	shalt  }
0x7f: {  	_ =	shalt  }
0x80: {  	_ =	shalt  }
0x81: {  	_ =	shalt  }
0x82: {  	_ =	shalt  }
0x83: {  	_ =	shalt  }
0x84: {  	_ =	shalt  }
0x85: {  	_ =	shalt  }
0x86: {  	_ =	shalt  }
0x87: {  	_ =	shalt  }
.Lfunc_end0:
.L_simem_size_0:
called_computation_lowered:
.L_overlay_start_0:
0x88: {  	s2 =	sld [smem:$0x3FD9]  }
0x89: {  	s3 =	sld [smem:$0x3FFE];
	_ =	sdelay $0x1  }
0x8a: {  	s1 =	srdreg.scid  }
0x8b: {  	s0 =	sand.u32 $0x1, s1  }
0x8c: {  	s17 =	sshll.u32 s0, $0xA;
	s2 =	sadd.s32 s3, s2  }
0x8d: {  	s2 =	sadd.s32 s2, s17  }
0x8e: {  	[smem:$0x3FC0] =	sst s2  }
0x8f: {  	_ = 	snop  }
0x90: {  	s2 =	sld [smem:$0x3FD0];
	(tm) =	ssettm $0x1  }
0x91: {  	s18 =	sld [smem:$0x3FFB];
	_ =	sdelay $0x3  }
0x92: {  	_ =	strace s18  }
0x93: {  	s3 =	sld [smem:$0x3FFC];
	_ =	sdelay $0x3  }
0x94: {  	_ =	strace s3  }
0x95: {  	s3 =	sld [smem:$0x3FFD];
	_ =	sdelay $0x3  }
0x96: {  	_ =	strace s3  }
0x97: {  	_ =	strace $0x8FFFFFFF  }
0x98: {  	s19 =	sld [smem:$0x3FDB];
	_ =	sdelay $0x1  }
0x99: {  	s4 =	simm.s32 $_scs_section_size  }
0x9a: {  	s5 =	simm.s32 $_size__tile_overlayer_lowered;
	s6 =	simm.s32 $_tile_overlayer_lowered  }
0x9b: {  	s22 =	simm.s32 $0x1BFF;
	s21 =	sshll.u32 s6, $0x1;
	s3 =	sadd.s32 s4, s19  }
0x9c: {  	s7 =	simm.s32 $0x0;
	s20 =	sshll.u32 s5, $0x1;
	s5 =	sadd.s32 s21, s3  }
0x9d: {  	[timem:s7], [sflag:s22] =	dma.local [hbm:s5], s20  }
0x9e: {  	_ =	swait.ge [sflag:s22], s20  }
0x9f: {  	s4 =	ssub.s32 $0x0, s20;
	[sflag:s22] =	ssyncset.done $0x0  }
0xa0: {  	[sflag:s22] =	ssyncadd.s32 s4;
	_ =	sdelay $0x1  }
0xa1: {  	s23 =	simm.s32 $0x1B8B  }
0xa2: {  	_ =	swait.ge [sflag:s23], $0x1  }
0xa3: {  	[sflag:s23] =	ssyncset.done $0x0  }
0xa4: {  	s25 =	simm.s32 $0x1B8E;
	s24 =	sld [smem:$0x3FFE];
	[sflag:s23] =	ssyncadd.s32 $0xFFFFFFFF  }
0xa5: {  	s26 =	simm.s32 $execute0_lowered;
	[smem:$0x3FD2] =	sst s25  }
0xa6: {  	s5 =	sshll.u32 s26, $0x1;
	_ =	strace $0x80000046;
	[dreg:$0x1] =	wrdreg $0xFFFFFFFF  }
0xa7: {  	s28 =	simm.s32 $_size_execute0_lowered;
	s3 =	sadd.s32 s3, s5;
	[dreg:$0x0] =	wrdreg $0x0  }
0xa8: {  	s5 =	sshll.u32 s28, $0x1;
	[dreg:$0x2] =	wrdreg s3  }
0xa9: {  	[dreg:$0x3] =	wrdreg s5  }
0xaa: {  	[dreg:$0x4] =	wrdreg $0xC0  }
0xab: {  	_ =	task [dreg:s7], $0x5FFFF  }
0xac: {  	[dreg:$0x1] =	wrdreg $0xFFFFFFFF  }
0xad: {  	[dreg:$0x0] =	wrdreg $0x60  }
0xae: {  	[dreg:$0x2] =	wrdreg s24  }
0xaf: {  	[dreg:$0x3] =	wrdreg s2  }
0xb0: {  	[dreg:$0x4] =	wrdreg $0x87000  }
0xb1: {  	[dreg:$0x5] =	wrdreg $0x9  }
0xb2: {  	_ =	task.clear_ibuf [dreg:s7], $0x6FFFF;
	_ =	strace $0x90000046  }
0xb3: {  	s29 =	simm.s32 $0x9;
	_ =	strace $0x80000048  }
0xb4: {  	_ =	swait.ge [sflag:s29], $0x1  }
0xb5: {  	[sflag:s29] =	ssyncadd.s32 $0xFFFFFFFF  }
0xb6: {  	_ =	strace $0x90000048  }
0xb7: {  	_ =	sfence  }
0xb8: {  	s30 =	sld [smem:$0x0];
	_ =	sdelay $0x2  }
0xb9: {  	s31 =	sshll.u32 s1, $0xD;
	s1 =	sshrl.u32 s1, $0x2  }
0xba: {  	s3 =	sand.u32 $0x4000, s31;
	s1 =	sadd.s32 s1, s30  }
0xbb: {  	s0 =	sor.u32 s3, s0;
	s1 =	sshll.u32 s1, $0x11  }
0xbc: {  	s0 =	sor.u32 s1, s0  }
0xbd: {  	s0 =	sadd.s32 $0x8F2B, s0  }
0xbe: {  	[sflag:s0] =	ssyncadd.remote.s32 $0x1  }
0xbf: {  	_ =	sfence.sel $0xFFFF  }
0xc0: {  	[dreg:$0x0] =	wrdreg $0xFFFFFFFF;
	(pc) =	sbr.abs _section_cstart, $3  }
0xc1: {  	[dreg:$0x1] =	wrdreg $0xFFFFFFFF  }
0xc2: {  	_ =	task.clear_ibuf [dreg:s7], $0x2FFFF;
	_ =	strace $0x9FFFFFFF  }
0xc3: {  	(tm) =	ssettm $0x7FFFFFFF  }
tec
execute0_lowered:
.L_overlay_start_1:
0x0: {  	(tag) =	ssettag $0x1  }
0x1: {  	s0 =	rddreg [dreg:$0x0]  }
0x2: {  	s1 =	rddreg [dreg:$0x1]  }
0x3: {  	s3 =	rddreg [dreg:$0x2];
	s4 =	simm.s32 $0x0;
	s15 =	stileid.u32  }
0x4: {  	s6 =	srdreg.scid;
	s28 =	simm.s32 $0x100;
	s2 =	smul.u32 $0x14000, s15  }
0x5: {  	s29 =	simm.s32 $0x180;
	s30 =	simm.s32 $0x4300;
	s24 =	smul.u32 $0x1388, s15  }
0x6: {  	[smem:$0x7FF] =	sst s4;
	s8 =	sand.u32 $0x1, s6;
	s13 =	smul.u32 $0x50000, s15  }
0x7: {  	s5 =	sadd.s32 $0xC400, s0;
	s6 =	sadd.s32 $0x7400, s0;
	s10 =	smul.u32 $0x280000, s8  }
0x8: {  	s7 =	sadd.s32 $0x2400, s0;
	s12 =	sadd.s32 $0x33600, s0;
	s11 =	smul.u32 $0x140000, s8  }
0x9: {  	_ =	strace $0x80000047;
	s23 =	smul.u32 $0x13880, s8;
	s8 =	ssub.s32 $0x2, s8  }
0xa: {  	[dreg:$0x4] =	wrdreg s12;
	s9 =	sshrl.u32 s2, $0x3;
	s25 =	sshrl.u32 s8, $0x1  }
0xb: {  	s17 =	sshrl.u32 s13, $0x2;
	s9 =	sadd.s32 s9, s0;
	s10 =	sadd.s32 s2, s10  }
0xc: {  	s2 =	sadd.s32 s2, s11;
	s26 =	sadd.s32 s24, s23;
	s10 =	sshrl.u32 s10, $0x3  }
0xd: {  	s2 =	sshrl.u32 s2, $0x3;
	s12 =	sshrl.u32 s26, $0x3;
	s14 =	sadd.s32 s10, s0  }
0xe: {  	s0 =	sadd.s32 s2, s0;
	s2 =	ssub.s32 s8, s25;
	s10 =	sadd.s32 s17, s3  }
0xf: {  	s19 =	sadd.s32 $0x270, s12;
	s20 =	sadd.s32 s6, s12;
	[dreg:$0x5] =	wrdreg s10  }
0x10: {  	s25 =	sadd.s32 $0x80, s26;
	s26 =	sadd.s32 $0x100, s26;
	[dreg:$0x6] =	wrdreg s20  }
0x11: {  	s31 =	simm.s32 $0x1;
	s21 =	sadd.s32 s6, s19;
	[dreg:$0xe] =	wrdreg s26  }
0x12: {  	s16 =	sadd.s32 $0x33E00, s9;
	s9 =	sadd.s32 s7, s19;
	[dreg:$0x7] =	wrdreg s21  }
0x13: {  	s18 =	sshll.u32 s15, $0x6;
	s22 =	sadd.s32 $0x5BE00, s14;
	[dreg:$0x8] =	wrdreg s9  }
0x14: {  	s13 =	sadd.s32 s7, s12;
	s23 =	sadd.s32 $0x83E00, s14;
	[dreg:$0x9] =	wrdreg s22  }
0x15: {  	s11 =	sor.u32 $0x1C03, s18;
	s24 =	sadd.s32 $0x260, s13;
	[dreg:$0xa] =	wrdreg s23  }
0x16: {  	s18 =	simm.s32 $0x0;
	s0 =	sadd.s32 $0xFBE00, s0;
	[dreg:$0xb] =	wrdreg s24  }
0x17: {  	s17 =	simm.s32 $0x8300;
	s2 =	smax.u32 s2, $0x1;
	[dreg:$0xc] =	wrdreg s0  }
0x18: {  	s26 =	simm.s32 $0x300;
	[dreg:$0xd] =	wrdreg s2;
	s0 =	sshrl.u32 s25, $0x3  }
0x19: {  	s24 =	simm.s32 $0x3;
	s25 =	simm.s32 $0x80;
	s9 =	simm.s32 $0x280  }
0x1a: {  	s22 =	sadd.s32 s0, s7;
	s23 =	sadd.s32 s0, s6;
	s0 =	simm.s32 $0x2  }
.LBB2_1:
0x1b: {  	s2 =	rddreg [dreg:$0x5]  }
0x1c: {  	s19 =	sshrl.u32 s2, $0x3  }
0x1d: {  	[spmem:s19], [sflag:s11] =	dma.local [hbm:s16], $0x2800  }
0x1e: {  	_ =	swait.ge [sflag:s24], $0x2800  }
0x1f: {  	[sflag:s24] =	ssyncset.done $0x0  }
0x20: {  	[sflag:s24] =	ssyncadd.s32 $0xFFFFD800  }
0x21: {  	[bflag:$0x0] =	sbarrier.arrive $0xFFFF  }
0x22: {  	s12 =	rddreg [dreg:$0x6]  }
0x23: {  	[tilespmem:s4], [sflag:$0x3] =	stream.linear.gather [hbm4b:s12+s4], $0x80, $0x38;
	[tilespmem:$0x1C700] =	vst v63  }
0x24: {  	_ =	swait.ge [sflag:s24], $0x80  }
0x25: {  	[sflag:s24] =	ssyncset.done $0x0  }
0x26: {  	[sflag:s24] =	ssyncadd.s32 $0xFFFFFF80  }
0x27: {  	[tilespmem:s25], [sflag:$0x3] =	stream.linear.gather [hbm4b:s13+s4], $0x80, $0x38;
	[tilespmem:$0x1C700] =	vst v63  }
0x28: {  	_ =	swait.ge [sflag:s24], $0x80  }
0x29: {  	[sflag:s24] =	ssyncset.done $0x0  }
0x2a: {  	[sflag:s24] =	ssyncadd.s32 $0xFFFFFF80  }
0x2b: {  	[tilespmem:s26], [sflag:$0x1] =	stream.indirect.gather [hbm4b:s5+s25], $0x80, s4, s25, $0xb8;
	[tilespmem:$0x1C700] =	vst v63  }
0x2c: {  	s14 =	sadd.s32 $0x0, s23  }
0x2d: {  	[tilespmem:s28], [sflag:$0x3] =	stream.linear.gather [hbm4b:s14+s4], $0x80, $0x38;
	[tilespmem:$0x1C700] =	vst v63  }
0x2e: {  	_ =	swait.ge [sflag:s24], $0x80  }
0x2f: {  	[sflag:s24] =	ssyncset.done $0x0  }
0x30: {  	s15 =	sadd.s32 $0x0, s22;
	[sflag:s24] =	ssyncadd.s32 $0xFFFFFF80  }
0x31: {  	[tilespmem:s29], [sflag:$0x3] =	stream.linear.gather [hbm4b:s15+s4], $0x80, $0x38;
	[tilespmem:$0x1C700] =	vst v63  }
0x32: {  	_ =	swait.ge [sflag:s24], $0x80  }
0x33: {  	[sflag:s24] =	ssyncset.done $0x0  }
0x34: {  	[sflag:s24] =	ssyncadd.s32 $0xFFFFFF80  }
0x35: {  	[tilespmem:s30], [sflag:$0x2] =	stream.indirect.gather [hbm4b:s5+s25], $0x80, s28, s25, $0xb8;
	[tilespmem:$0x1C700] =	vst v63  }
0x36: {  	_ =	swait.ge [sflag:s31], $0x4000  }
0x37: {  	[sflag:s31] =	ssyncset.done $0x0  }
0x38: {  	[sflag:s31] =	ssyncadd.s32 $0xFFFFC000  }
0x39: {  	[spmem:s3] =	stream.indirect.scatter.add.f32 [tilespmem:s26], [sflag:$0x3], $0x80, s25, s25, $0xb8;
	[tilespmem:$0x1C700] =	vst v63  }
0x3a: {  	_ =	swait.ge [sflag:s24], $0x4000  }
0x3b: {  	s10 =	rddreg [dreg:$0xe]  }
0x3c: {  	s21 =	smov.u32 s16;
	[sflag:s24] =	ssyncset.done $0x0;
	s16 =	sshrl.u32 s10, $0x3  }
0x3d: {  	[sflag:s24] =	ssyncadd.s32 $0xFFFFC000;
	s20 =	sadd.s32 s6, s16  }
0x3e: {  	[tilespmem:s4], [sflag:$0x3] =	stream.linear.gather [hbm4b:s20+s4], $0x80, $0x38;
	[tilespmem:$0x1C700] =	vst v63  }
0x3f: {  	_ =	swait.ge [sflag:s24], $0x80  }
0x40: {  	[sflag:s24] =	ssyncset.done $0x0  }
0x41: {  	s8 =	sadd.s32 s7, s16;
	[sflag:s24] =	ssyncadd.s32 $0xFFFFFF80  }
0x42: {  	[tilespmem:s25], [sflag:$0x3] =	stream.linear.gather [hbm4b:s8+s4], $0x80, $0x38;
	[tilespmem:$0x1C700] =	vst v63  }
0x43: {  	_ =	swait.ge [sflag:s24], $0x80  }
0x44: {  	[sflag:s24] =	ssyncset.done $0x0  }
0x45: {  	[sflag:s24] =	ssyncadd.s32 $0xFFFFFF80  }
0x46: {  	[tilespmem:s26], [sflag:$0x1] =	stream.indirect.gather [hbm4b:s5+s25], $0x80, s4, s25, $0xb8;
	[tilespmem:$0x1C700] =	vst v63  }
0x47: {  	_ =	swait.ge [sflag:s0], $0x4000  }
0x48: {  	[sflag:s0] =	ssyncset.done $0x0  }
0x49: {  	[sflag:s0] =	ssyncadd.s32 $0xFFFFC000  }
0x4a: {  	[spmem:s3] =	stream.indirect.scatter.add.f32 [tilespmem:s30], [sflag:$0x3], $0x80, s29, s25, $0xb8;
	[tilespmem:$0x1C700] =	vst v63  }
0x4b: {  	s2 =	simm.s32 $0x40;
	_ =	swait.ge [sflag:s24], $0x4000  }
0x4c: {  	s14 =	simm.s32 $0x20;
	s12 =	sadd.s32 $0x100, s10;
	[sflag:s24] =	ssyncset.done $0x0  }
.LBB2_2:
0x4d: {  	s10 =	sadd.s32 s14, s23  }
0x4e: {  	[sflag:s24] =	ssyncadd.s32 $0xFFFFC000;
	s15 =	smov.u32 s2;
	s16 =	sadd.s32 $0x20, s2  }
0x4f: {  	[tilespmem:s28], [sflag:$0x3] =	stream.linear.gather [hbm4b:s10+s4], $0x80, $0x38;
	[tilespmem:$0x1C700] =	vst v63  }
0x50: {  	p0 =	sne.s32 s2, $0x240;
	_ =	swait.ge [sflag:s24], $0x80  }
0x51: {  	[sflag:s24] =	ssyncset.done $0x0  }
0x52: {  	s2 =	sadd.s32 s14, s22;
	s14 =	smov.u32 s15;
	[sflag:s24] =	ssyncadd.s32 $0xFFFFFF80  }
0x53: {  	[tilespmem:s29], [sflag:$0x3] =	stream.linear.gather [hbm4b:s2+s4], $0x80, $0x38;
	[tilespmem:$0x1C700] =	vst v63  }
0x54: {  	_ =	swait.ge [sflag:s24], $0x80  }
0x55: {  	[sflag:s24] =	ssyncset.done $0x0  }
0x56: {  	[sflag:s24] =	ssyncadd.s32 $0xFFFFFF80  }
0x57: {  	[tilespmem:s30], [sflag:$0x2] =	stream.indirect.gather [hbm4b:s5+s25], $0x80, s28, s25, $0xb8;
	[tilespmem:$0x1C700] =	vst v63  }
0x58: {  	_ =	swait.ge [sflag:s31], $0x4000  }
0x59: {  	[sflag:s31] =	ssyncset.done $0x0  }
0x5a: {  	[sflag:s31] =	ssyncadd.s32 $0xFFFFC000  }
0x5b: {  	[spmem:s3] =	stream.indirect.scatter.add.f32 [tilespmem:s26], [sflag:$0x3], $0x80, s25, s25, $0xb8;
	[tilespmem:$0x1C700] =	vst v63  }
0x5c: {  	_ =	swait.ge [sflag:s24], $0x4000  }
0x5d: {  	s2 =	sshrl.u32 s12, $0x3;
	[sflag:s24] =	ssyncset.done $0x0  }
0x5e: {  	s10 =	sadd.s32 s6, s2;
	[sflag:s24] =	ssyncadd.s32 $0xFFFFC000  }
0x5f: {  	[tilespmem:s4], [sflag:$0x3] =	stream.linear.gather [hbm4b:s10+s4], $0x80, $0x38;
	[tilespmem:$0x1C700] =	vst v63  }
0x60: {  	_ =	swait.ge [sflag:s24], $0x80  }
0x61: {  	[sflag:s24] =	ssyncset.done $0x0  }
0x62: {  	s2 =	sadd.s32 s7, s2;
	[sflag:s24] =	ssyncadd.s32 $0xFFFFFF80  }
0x63: {  	[tilespmem:s25], [sflag:$0x3] =	stream.linear.gather [hbm4b:s2+s4], $0x80, $0x38;
	[tilespmem:$0x1C700] =	vst v63  }
0x64: {  	_ =	swait.ge [sflag:s24], $0x80  }
0x65: {  	[sflag:s24] =	ssyncset.done $0x0  }
0x66: {  	[sflag:s24] =	ssyncadd.s32 $0xFFFFFF80  }
0x67: {  	[tilespmem:s26], [sflag:$0x1] =	stream.indirect.gather [hbm4b:s5+s25], $0x80, s4, s25, $0xb8;
	[tilespmem:$0x1C700] =	vst v63  }
0x68: {  	_ =	swait.ge [sflag:s0], $0x4000  }
.Ltmp0:
0x69: {  	[sflag:s0] =	ssyncset.done $0x0;
	(pc) =	sbr.rel @p0 .LBB2_2-.Ltmp0, $4  }
0x6a: {  	[sflag:s0] =	ssyncadd.s32 $0xFFFFC000  }
0x6b: {  	[spmem:s3] =	stream.indirect.scatter.add.f32 [tilespmem:s30], [sflag:$0x3], $0x80, s29, s25, $0xb8;
	[tilespmem:$0x1C700] =	vst v63  }
0x6c: {  	_ =	swait.ge [sflag:s24], $0x4000  }
0x6d: {  	s12 =	sadd.s32 $0x100, s12;
	s2 =	smov.u32 s16;
	[sflag:s24] =	ssyncset.done $0x0  }
0x6e: {  	s2 =	sadd.s32 s14, s23;
	[sflag:s24] =	ssyncadd.s32 $0xFFFFC000  }
0x6f: {  	[tilespmem:s28], [sflag:$0x3] =	stream.linear.gather [hbm4b:s2+s4], $0x80, $0x38;
	[tilespmem:$0x1C700] =	vst v63  }
0x70: {  	_ =	swait.ge [sflag:s24], $0x80  }
0x71: {  	[sflag:s24] =	ssyncset.done $0x0  }
0x72: {  	s10 =	sadd.s32 s14, s22;
	[sflag:s24] =	ssyncadd.s32 $0xFFFFFF80  }
0x73: {  	[tilespmem:s29], [sflag:$0x3] =	stream.linear.gather [hbm4b:s10+s4], $0x80, $0x38;
	[tilespmem:$0x1C700] =	vst v63  }
0x74: {  	_ =	swait.ge [sflag:s24], $0x80  }
0x75: {  	[sflag:s24] =	ssyncset.done $0x0  }
0x76: {  	[sflag:s24] =	ssyncadd.s32 $0xFFFFFF80  }
0x77: {  	[tilespmem:s30], [sflag:$0x2] =	stream.indirect.gather [hbm4b:s5+s25], $0x80, s28, s25, $0xb8;
	[tilespmem:$0x1C700] =	vst v63  }
0x78: {  	_ =	swait.ge [sflag:s31], $0x4000  }
0x79: {  	[sflag:s31] =	ssyncset.done $0x0  }
0x7a: {  	[sflag:s31] =	ssyncadd.s32 $0xFFFFC000  }
0x7b: {  	[spmem:s3] =	stream.indirect.scatter.add.f32 [tilespmem:s26], [sflag:$0x3], $0x80, s25, s25, $0xb8;
	[tilespmem:$0x1C700] =	vst v63  }
0x7c: {  	_ =	swait.ge [sflag:s24], $0x4000  }
0x7d: {  	s14 =	sshrl.u32 s12, $0x3;
	[sflag:s24] =	ssyncset.done $0x0  }
0x7e: {  	s10 =	sadd.s32 s6, s14;
	[sflag:s24] =	ssyncadd.s32 $0xFFFFC000  }
0x7f: {  	[tilespmem:s4], [sflag:$0x3] =	stream.linear.gather [hbm4b:s10+s4], $0x80, $0x38;
	[tilespmem:$0x1C700] =	vst v63  }
0x80: {  	_ =	swait.ge [sflag:s24], $0x80  }
0x81: {  	[sflag:s24] =	ssyncset.done $0x0  }
0x82: {  	s2 =	sadd.s32 s7, s14;
	[sflag:s24] =	ssyncadd.s32 $0xFFFFFF80  }
0x83: {  	[tilespmem:s25], [sflag:$0x3] =	stream.linear.gather [hbm4b:s2+s4], $0x80, $0x38;
	[tilespmem:$0x1C700] =	vst v63  }
0x84: {  	_ =	swait.ge [sflag:s24], $0x80  }
0x85: {  	[sflag:s24] =	ssyncset.done $0x0  }
0x86: {  	[sflag:s24] =	ssyncadd.s32 $0xFFFFFF80  }
0x87: {  	[tilespmem:s26], [sflag:$0x1] =	stream.indirect.gather [hbm4b:s5+s25], $0x80, s4, s25, $0xb8;
	[tilespmem:$0x1C700] =	vst v63  }
0x88: {  	_ =	swait.ge [sflag:s0], $0x4000  }
0x89: {  	[sflag:s0] =	ssyncset.done $0x0  }
0x8a: {  	[sflag:s0] =	ssyncadd.s32 $0xFFFFC000  }
0x8b: {  	[spmem:s3] =	stream.indirect.scatter.add.f32 [tilespmem:s30], [sflag:$0x3], $0x80, s29, s25, $0xb8;
	[tilespmem:$0x1C700] =	vst v63  }
0x8c: {  	_ =	swait.ge [sflag:s24], $0x4000  }
0x8d: {  	[sflag:s24] =	ssyncset.done $0x0  }
0x8e: {  	[sflag:s24] =	ssyncadd.s32 $0xFFFFC000  }
0x8f: {  	_ =	swait.ge [sflag:s31], $0x4000  }
0x90: {  	[sflag:s31] =	ssyncset.done $0x0  }
0x91: {  	[sflag:s31] =	ssyncadd.s32 $0xFFFFC000  }
0x92: {  	[spmem:s3] =	stream.indirect.scatter.add.f32 [tilespmem:s26], [sflag:$0x3], $0x80, s25, s25, $0xb8;
	[tilespmem:$0x1C700] =	vst v63  }
0x93: {  	_ =	swait.ge [sflag:s24], $0x4000  }
0x94: {  	s16 =	simm.s32 $0x200;
	[sflag:s24] =	ssyncset.done $0x0  }
0x95: {  	s2 =	simm.s32 $0x0;
	s15 =	rddreg [dreg:$0x7];
	[sflag:s24] =	ssyncadd.s32 $0xFFFFC000  }
0x96: {  	[tilespmem:s16], [sflag:$0x3] =	stream.linear.gather [hbm4b:s15+s2], $0x8, $0x38;
	[tilespmem:$0x1C700] =	vst v63  }
0x97: {  	_ =	swait.ge [sflag:s24], $0x8  }
0x98: {  	[sflag:s24] =	ssyncset.done $0x0  }
0x99: {  	s14 =	rddreg [dreg:$0x8];
	[sflag:s24] =	ssyncadd.s32 $0xFFFFFFF8  }
0x9a: {  	[tilespmem:s9], [sflag:$0x3] =	stream.linear.gather [hbm4b:s14+s2], $0x8, $0x38;
	[tilespmem:$0x1C700] =	vst v63  }
0x9b: {  	_ =	swait.ge [sflag:s24], $0x8  }
0x9c: {  	[sflag:s24] =	ssyncset.done $0x0  }
0x9d: {  	s15 =	simm.s32 $0x8;
	[sflag:s24] =	ssyncadd.s32 $0xFFFFFFF8  }
0x9e: {  	[tilespmem:s17], [sflag:$0x1] =	stream.indirect.gather [hbm4b:s5+s15], $0x80, s16, s15, $0xb8;
	[tilespmem:$0x1C700] =	vst v63  }
0x9f: {  	_ =	swait.ge [sflag:s31], $0x400  }
0xa0: {  	[sflag:s31] =	ssyncset.done $0x0  }
0xa1: {  	[sflag:s31] =	ssyncadd.s32 $0xFFFFFC00  }
0xa2: {  	[spmem:s3] =	stream.indirect.scatter.add.f32 [tilespmem:s17], [sflag:$0x3], $0x80, s9, s15, $0xb8;
	[tilespmem:$0x1C700] =	vst v63  }
0xa3: {  	_ =	swait.ge [sflag:s24], $0x400  }
0xa4: {  	[sflag:s24] =	ssyncset.done $0x0  }
0xa5: {  	[sflag:s24] =	ssyncadd.s32 $0xFFFFFC00  }
0xa6: {  	[bflag:$0x0] =	sbarrier.arrive $0xFFFF  }
0xa7: {  	s16 =	rddreg [dreg:$0x9]  }
0xa8: {  	[hbm:s16], [sflag:s11] =	dma.local [spmem:s19], $0x2800  }
0xa9: {  	_ =	swait.ge [sflag:s24], $0x2800  }
0xaa: {  	[sflag:s24] =	ssyncset.done $0x0  }
0xab: {  	[sflag:s24] =	ssyncadd.s32 $0xFFFFD800  }
0xac: {  	[spmem:s19], [sflag:s11] =	dma.local [hbm:s21], $0x2800  }
0xad: {  	_ =	swait.ge [sflag:s24], $0x2800  }
0xae: {  	[sflag:s24] =	ssyncset.done $0x0  }
0xaf: {  	[sflag:s24] =	ssyncadd.s32 $0xFFFFD800  }
0xb0: {  	[bflag:$0x0] =	sbarrier.arrive $0xFFFF  }
0xb1: {  	s12 =	rddreg [dreg:$0x6]  }
0xb2: {  	[tilespmem:s2], [sflag:$0x3] =	stream.linear.gather [hbm4b:s12+s2], $0x80, $0x38;
	[tilespmem:$0x1C700] =	vst v63  }
0xb3: {  	_ =	swait.ge [sflag:s24], $0x80  }
0xb4: {  	[sflag:s24] =	ssyncset.done $0x0  }
0xb5: {  	[sflag:s24] =	ssyncadd.s32 $0xFFFFFF80  }
0xb6: {  	[tilespmem:s25], [sflag:$0x3] =	stream.linear.gather [hbm4b:s13+s2], $0x80, $0x38;
	[tilespmem:$0x1C700] =	vst v63  }
0xb7: {  	_ =	swait.ge [sflag:s24], $0x80  }
0xb8: {  	[sflag:s24] =	ssyncset.done $0x0  }
0xb9: {  	[sflag:s24] =	ssyncadd.s32 $0xFFFFFF80  }
0xba: {  	[tilespmem:s26], [sflag:$0x1] =	stream.indirect.gather [hbm4b:s1+s25], $0x80, s2, s25, $0xb8;
	[tilespmem:$0x1C700] =	vst v63  }
0xbb: {  	s14 =	sadd.s32 $0x0, s23  }
0xbc: {  	[tilespmem:s28], [sflag:$0x3] =	stream.linear.gather [hbm4b:s14+s4], $0x80, $0x38;
	[tilespmem:$0x1C700] =	vst v63  }
0xbd: {  	_ =	swait.ge [sflag:s24], $0x80  }
0xbe: {  	[sflag:s24] =	ssyncset.done $0x0  }
0xbf: {  	s15 =	sadd.s32 $0x0, s22;
	[sflag:s24] =	ssyncadd.s32 $0xFFFFFF80  }
0xc0: {  	[tilespmem:s29], [sflag:$0x3] =	stream.linear.gather [hbm4b:s15+s4], $0x80, $0x38;
	[tilespmem:$0x1C700] =	vst v63  }
0xc1: {  	_ =	swait.ge [sflag:s24], $0x80  }
0xc2: {  	[sflag:s24] =	ssyncset.done $0x0  }
0xc3: {  	[sflag:s24] =	ssyncadd.s32 $0xFFFFFF80  }
0xc4: {  	[tilespmem:s30], [sflag:$0x2] =	stream.indirect.gather [hbm4b:s1+s25], $0x80, s28, s25, $0xb8;
	[tilespmem:$0x1C700] =	vst v63  }
0xc5: {  	_ =	swait.ge [sflag:s31], $0x4000  }
0xc6: {  	[sflag:s31] =	ssyncset.done $0x0  }
0xc7: {  	[sflag:s31] =	ssyncadd.s32 $0xFFFFC000  }
0xc8: {  	[spmem:s3] =	stream.indirect.scatter.add.f32 [tilespmem:s26], [sflag:$0x3], $0x80, s25, s25, $0xb8;
	[tilespmem:$0x1C700] =	vst v63  }
0xc9: {  	_ =	swait.ge [sflag:s24], $0x4000  }
0xca: {  	[sflag:s24] =	ssyncset.done $0x0  }
0xcb: {  	[sflag:s24] =	ssyncadd.s32 $0xFFFFC000  }
0xcc: {  	[tilespmem:s4], [sflag:$0x3] =	stream.linear.gather [hbm4b:s20+s4], $0x80, $0x38;
	[tilespmem:$0x1C700] =	vst v63  }
0xcd: {  	_ =	swait.ge [sflag:s24], $0x80  }
0xce: {  	[sflag:s24] =	ssyncset.done $0x0  }
0xcf: {  	[sflag:s24] =	ssyncadd.s32 $0xFFFFFF80  }
0xd0: {  	[tilespmem:s25], [sflag:$0x3] =	stream.linear.gather [hbm4b:s8+s4], $0x80, $0x38;
	[tilespmem:$0x1C700] =	vst v63  }
0xd1: {  	_ =	swait.ge [sflag:s24], $0x80  }
0xd2: {  	[sflag:s24] =	ssyncset.done $0x0  }
0xd3: {  	[sflag:s24] =	ssyncadd.s32 $0xFFFFFF80  }
0xd4: {  	[tilespmem:s26], [sflag:$0x1] =	stream.indirect.gather [hbm4b:s1+s25], $0x80, s4, s25, $0xb8;
	[tilespmem:$0x1C700] =	vst v63  }
0xd5: {  	_ =	swait.ge [sflag:s0], $0x4000  }
0xd6: {  	[sflag:s0] =	ssyncset.done $0x0  }
0xd7: {  	[sflag:s0] =	ssyncadd.s32 $0xFFFFC000  }
0xd8: {  	[spmem:s3] =	stream.indirect.scatter.add.f32 [tilespmem:s30], [sflag:$0x3], $0x80, s29, s25, $0xb8;
	[tilespmem:$0x1C700] =	vst v63  }
0xd9: {  	_ =	swait.ge [sflag:s24], $0x4000  }
0xda: {  	s16 =	smov.u32 s21;
	s12 =	simm.s32 $0x20;
	s21 =	rddreg [dreg:$0xe]  }
0xdb: {  	s14 =	simm.s32 $0x40;
	[sflag:s24] =	ssyncset.done $0x0;
	s8 =	sadd.s32 $0x100, s21  }
.LBB2_4:
0xdc: {  	s10 =	sadd.s32 s12, s23  }
0xdd: {  	[sflag:s24] =	ssyncadd.s32 $0xFFFFC000;
	s15 =	smov.u32 s14;
	s2 =	sadd.s32 $0x20, s14  }
0xde: {  	[tilespmem:s28], [sflag:$0x3] =	stream.linear.gather [hbm4b:s10+s4], $0x80, $0x38;
	[tilespmem:$0x1C700] =	vst v63  }
0xdf: {  	p0 =	sne.s32 s14, $0x240;
	_ =	swait.ge [sflag:s24], $0x80  }
0xe0: {  	[sflag:s24] =	ssyncset.done $0x0  }
0xe1: {  	s10 =	sadd.s32 s12, s22;
	s12 =	smov.u32 s15;
	[sflag:s24] =	ssyncadd.s32 $0xFFFFFF80  }
0xe2: {  	[tilespmem:s29], [sflag:$0x3] =	stream.linear.gather [hbm4b:s10+s4], $0x80, $0x38;
	[tilespmem:$0x1C700] =	vst v63  }
0xe3: {  	_ =	swait.ge [sflag:s24], $0x80  }
0xe4: {  	[sflag:s24] =	ssyncset.done $0x0  }
0xe5: {  	[sflag:s24] =	ssyncadd.s32 $0xFFFFFF80  }
0xe6: {  	[tilespmem:s30], [sflag:$0x2] =	stream.indirect.gather [hbm4b:s1+s25], $0x80, s28, s25, $0xb8;
	[tilespmem:$0x1C700] =	vst v63  }
0xe7: {  	_ =	swait.ge [sflag:s31], $0x4000  }
0xe8: {  	[sflag:s31] =	ssyncset.done $0x0  }
0xe9: {  	[sflag:s31] =	ssyncadd.s32 $0xFFFFC000  }
0xea: {  	[spmem:s3] =	stream.indirect.scatter.add.f32 [tilespmem:s26], [sflag:$0x3], $0x80, s25, s25, $0xb8;
	[tilespmem:$0x1C700] =	vst v63  }
0xeb: {  	_ =	swait.ge [sflag:s24], $0x4000  }
0xec: {  	s10 =	sshrl.u32 s8, $0x3;
	[sflag:s24] =	ssyncset.done $0x0  }
0xed: {  	s14 =	sadd.s32 s6, s10;
	[sflag:s24] =	ssyncadd.s32 $0xFFFFC000  }
0xee: {  	[tilespmem:s4], [sflag:$0x3] =	stream.linear.gather [hbm4b:s14+s4], $0x80, $0x38;
	[tilespmem:$0x1C700] =	vst v63  }
0xef: {  	_ =	swait.ge [sflag:s24], $0x80  }
0xf0: {  	[sflag:s24] =	ssyncset.done $0x0  }
0xf1: {  	s10 =	sadd.s32 s7, s10;
	[sflag:s24] =	ssyncadd.s32 $0xFFFFFF80  }
0xf2: {  	[tilespmem:s25], [sflag:$0x3] =	stream.linear.gather [hbm4b:s10+s4], $0x80, $0x38;
	[tilespmem:$0x1C700] =	vst v63  }
0xf3: {  	_ =	swait.ge [sflag:s24], $0x80  }
0xf4: {  	[sflag:s24] =	ssyncset.done $0x0  }
0xf5: {  	[sflag:s24] =	ssyncadd.s32 $0xFFFFFF80  }
0xf6: {  	[tilespmem:s26], [sflag:$0x1] =	stream.indirect.gather [hbm4b:s1+s25], $0x80, s4, s25, $0xb8;
	[tilespmem:$0x1C700] =	vst v63  }
0xf7: {  	_ =	swait.ge [sflag:s0], $0x4000  }
.Ltmp1:
0xf8: {  	[sflag:s0] =	ssyncset.done $0x0;
	(pc) =	sbr.rel @p0 .LBB2_4-.Ltmp1, $4  }
0xf9: {  	[sflag:s0] =	ssyncadd.s32 $0xFFFFC000  }
0xfa: {  	[spmem:s3] =	stream.indirect.scatter.add.f32 [tilespmem:s30], [sflag:$0x3], $0x80, s29, s25, $0xb8;
	[tilespmem:$0x1C700] =	vst v63  }
0xfb: {  	_ =	swait.ge [sflag:s24], $0x4000  }
0xfc: {  	s8 =	sadd.s32 $0x100, s8;
	s14 =	smov.u32 s2;
	[sflag:s24] =	ssyncset.done $0x0  }
0xfd: {  	s2 =	sadd.s32 s12, s23;
	[sflag:s24] =	ssyncadd.s32 $0xFFFFC000  }
0xfe: {  	[tilespmem:s28], [sflag:$0x3] =	stream.linear.gather [hbm4b:s2+s4], $0x80, $0x38;
	[tilespmem:$0x1C700] =	vst v63  }
0xff: {  	_ =	swait.ge [sflag:s24], $0x80  }
0x100: {  	[sflag:s24] =	ssyncset.done $0x0  }
0x101: {  	s12 =	sadd.s32 s12, s22;
	[sflag:s24] =	ssyncadd.s32 $0xFFFFFF80  }
0x102: {  	[tilespmem:s29], [sflag:$0x3] =	stream.linear.gather [hbm4b:s12+s4], $0x80, $0x38;
	[tilespmem:$0x1C700] =	vst v63  }
0x103: {  	_ =	swait.ge [sflag:s24], $0x80  }
0x104: {  	[sflag:s24] =	ssyncset.done $0x0  }
0x105: {  	[sflag:s24] =	ssyncadd.s32 $0xFFFFFF80  }
0x106: {  	[tilespmem:s30], [sflag:$0x2] =	stream.indirect.gather [hbm4b:s1+s25], $0x80, s28, s25, $0xb8;
	[tilespmem:$0x1C700] =	vst v63  }
0x107: {  	_ =	swait.ge [sflag:s31], $0x4000  }
0x108: {  	[sflag:s31] =	ssyncset.done $0x0  }
0x109: {  	[sflag:s31] =	ssyncadd.s32 $0xFFFFC000  }
0x10a: {  	[spmem:s3] =	stream.indirect.scatter.add.f32 [tilespmem:s26], [sflag:$0x3], $0x80, s25, s25, $0xb8;
	[tilespmem:$0x1C700] =	vst v63  }
0x10b: {  	_ =	swait.ge [sflag:s24], $0x4000  }
0x10c: {  	s14 =	sshrl.u32 s8, $0x3;
	[sflag:s24] =	ssyncset.done $0x0  }
0x10d: {  	s8 =	sadd.s32 s6, s14;
	[sflag:s24] =	ssyncadd.s32 $0xFFFFC000  }
0x10e: {  	[tilespmem:s4], [sflag:$0x3] =	stream.linear.gather [hbm4b:s8+s4], $0x80, $0x38;
	[tilespmem:$0x1C700] =	vst v63  }
0x10f: {  	_ =	swait.ge [sflag:s24], $0x80  }
0x110: {  	[sflag:s24] =	ssyncset.done $0x0  }
0x111: {  	s2 =	sadd.s32 s7, s14;
	[sflag:s24] =	ssyncadd.s32 $0xFFFFFF80  }
0x112: {  	[tilespmem:s25], [sflag:$0x3] =	stream.linear.gather [hbm4b:s2+s4], $0x80, $0x38;
	[tilespmem:$0x1C700] =	vst v63  }
0x113: {  	_ =	swait.ge [sflag:s24], $0x80  }
0x114: {  	[sflag:s24] =	ssyncset.done $0x0  }
0x115: {  	[sflag:s24] =	ssyncadd.s32 $0xFFFFFF80  }
0x116: {  	[tilespmem:s26], [sflag:$0x1] =	stream.indirect.gather [hbm4b:s1+s25], $0x80, s4, s25, $0xb8;
	[tilespmem:$0x1C700] =	vst v63  }
0x117: {  	_ =	swait.ge [sflag:s0], $0x4000  }
0x118: {  	[sflag:s0] =	ssyncset.done $0x0  }
0x119: {  	[sflag:s0] =	ssyncadd.s32 $0xFFFFC000  }
0x11a: {  	[spmem:s3] =	stream.indirect.scatter.add.f32 [tilespmem:s30], [sflag:$0x3], $0x80, s29, s25, $0xb8;
	[tilespmem:$0x1C700] =	vst v63  }
0x11b: {  	_ =	swait.ge [sflag:s24], $0x4000  }
0x11c: {  	[sflag:s24] =	ssyncset.done $0x0  }
0x11d: {  	[sflag:s24] =	ssyncadd.s32 $0xFFFFC000  }
0x11e: {  	_ =	swait.ge [sflag:s31], $0x4000  }
0x11f: {  	[sflag:s31] =	ssyncset.done $0x0  }
0x120: {  	[sflag:s31] =	ssyncadd.s32 $0xFFFFC000  }
0x121: {  	[spmem:s3] =	stream.indirect.scatter.add.f32 [tilespmem:s26], [sflag:$0x3], $0x80, s25, s25, $0xb8;
	[tilespmem:$0x1C700] =	vst v63  }
0x122: {  	_ =	swait.ge [sflag:s24], $0x4000  }
0x123: {  	s10 =	simm.s32 $0x200;
	[sflag:s24] =	ssyncset.done $0x0  }
0x124: {  	s2 =	simm.s32 $0x0;
	s15 =	rddreg [dreg:$0x7];
	[sflag:s24] =	ssyncadd.s32 $0xFFFFC000  }
0x125: {  	[tilespmem:s10], [sflag:$0x3] =	stream.linear.gather [hbm4b:s15+s2], $0x8, $0x38;
	[tilespmem:$0x1C700] =	vst v63  }
0x126: {  	_ =	swait.ge [sflag:s24], $0x8  }
0x127: {  	[sflag:s24] =	ssyncset.done $0x0  }
0x128: {  	s20 =	rddreg [dreg:$0x8];
	[sflag:s24] =	ssyncadd.s32 $0xFFFFFFF8  }
0x129: {  	[tilespmem:s9], [sflag:$0x3] =	stream.linear.gather [hbm4b:s20+s2], $0x8, $0x38;
	[tilespmem:$0x1C700] =	vst v63  }
0x12a: {  	_ =	swait.ge [sflag:s24], $0x8  }
0x12b: {  	[sflag:s24] =	ssyncset.done $0x0  }
0x12c: {  	s21 =	simm.s32 $0x8;
	[sflag:s24] =	ssyncadd.s32 $0xFFFFFFF8  }
0x12d: {  	[tilespmem:s17], [sflag:$0x1] =	stream.indirect.gather [hbm4b:s1+s21], $0x80, s10, s21, $0xb8;
	[tilespmem:$0x1C700] =	vst v63  }
0x12e: {  	_ =	swait.ge [sflag:s31], $0x400  }
0x12f: {  	[sflag:s31] =	ssyncset.done $0x0  }
0x130: {  	[sflag:s31] =	ssyncadd.s32 $0xFFFFFC00  }
0x131: {  	[spmem:s3] =	stream.indirect.scatter.add.f32 [tilespmem:s17], [sflag:$0x3], $0x80, s9, s21, $0xb8;
	[tilespmem:$0x1C700] =	vst v63  }
0x132: {  	_ =	swait.ge [sflag:s24], $0x400  }
0x133: {  	[sflag:s24] =	ssyncset.done $0x0  }
0x134: {  	[sflag:s24] =	ssyncadd.s32 $0xFFFFFC00  }
0x135: {  	[bflag:$0x0] =	sbarrier.arrive $0xFFFF  }
0x136: {  	s12 =	rddreg [dreg:$0xa]  }
0x137: {  	[hbm:s12], [sflag:s11] =	dma.local [spmem:s19], $0x2800  }
0x138: {  	_ =	swait.ge [sflag:s24], $0x2800  }
0x139: {  	[sflag:s24] =	ssyncset.done $0x0  }
0x13a: {  	[sflag:s24] =	ssyncadd.s32 $0xFFFFD800  }
0x13b: {  	[spmem:s19], [sflag:s11] =	dma.local [hbm:s16], $0x2800  }
0x13c: {  	_ =	swait.ge [sflag:s24], $0x2800  }
0x13d: {  	[sflag:s24] =	ssyncset.done $0x0  }
0x13e: {  	[sflag:s24] =	ssyncadd.s32 $0xFFFFD800  }
0x13f: {  	[bflag:$0x0] =	sbarrier.arrive $0xFFFF  }
0x140: {  	s14 =	rddreg [dreg:$0x4]  }
0x141: {  	[tilespmem:s26], [sflag:$0x3] =	stream.linear.gather [hbm4b:s14+s2], $0x4000, $0x38;
	[tilespmem:$0x1C700] =	vst v63  }
0x142: {  	_ =	swait.ge [sflag:s24], $0x4000  }
0x143: {  	[sflag:s24] =	ssyncset.done $0x0  }
0x144: {  	[sflag:s24] =	ssyncadd.s32 $0xFFFFC000  }
0x145: {  	[tilespmem:s17], [sflag:$0x3] =	stream.linear.gather [hbm4b:s14+s2], $0x400, $0x38;
	[tilespmem:$0x1C700] =	vst v63  }
0x146: {  	_ =	swait.ge [sflag:s24], $0x400  }
0x147: {  	[sflag:s24] =	ssyncset.done $0x0  }
0x148: {  	s20 =	sadd.s32 $0x0, s13;
	[sflag:s24] =	ssyncadd.s32 $0xFFFFFC00  }
0x149: {  	[tilespmem:s25], [sflag:$0x3] =	stream.linear.gather [hbm4b:s20+s4], $0x80, $0x38;
	[tilespmem:$0x1C700] =	vst v63  }
0x14a: {  	_ =	swait.ge [sflag:s24], $0x80  }
0x14b: {  	[sflag:s24] =	ssyncset.done $0x0  }
0x14c: {  	s21 =	sadd.s32 $0x0, s22;
	[sflag:s24] =	ssyncadd.s32 $0xFFFFFF80  }
0x14d: {  	[tilespmem:s29], [sflag:$0x3] =	stream.linear.gather [hbm4b:s21+s4], $0x80, $0x38;
	[tilespmem:$0x1C700] =	vst v63  }
0x14e: {  	_ =	swait.ge [sflag:s24], $0x80  }
0x14f: {  	[sflag:s24] =	ssyncset.done $0x0  }
0x150: {  	[sflag:s24] =	ssyncadd.s32 $0xFFFFFF80  }
0x151: {  	[spmem:s3] =	stream.indirect.scatter.add.f32 [tilespmem:s26], [sflag:$0x3], $0x80, s25, s25, $0xb8;
	[tilespmem:$0x1C700] =	vst v63  }
0x152: {  	_ =	swait.ge [sflag:s24], $0x4000  }
0x153: {  	[sflag:s24] =	ssyncset.done $0x0  }
0x154: {  	[sflag:s24] =	ssyncadd.s32 $0xFFFFC000  }
0x155: {  	[spmem:s3] =	stream.indirect.scatter.add.f32 [tilespmem:s26], [sflag:$0x3], $0x80, s29, s25, $0xb8;
	[tilespmem:$0x1C700] =	vst v63  }
0x156: {  	s8 =	simm.s32 $0x40;
	_ =	swait.ge [sflag:s24], $0x4000  }
0x157: {  	s15 =	simm.s32 $0x8;
	s2 =	simm.s32 $0x20;
	[sflag:s24] =	ssyncset.done $0x0  }
.LBB2_6:
0x158: {  	s10 =	sadd.s32 s2, s13  }
0x159: {  	[sflag:s24] =	ssyncadd.s32 $0xFFFFC000;
	s12 =	smov.u32 s8;
	s14 =	sadd.s32 $0x20, s8  }
0x15a: {  	[tilespmem:s25], [sflag:$0x3] =	stream.linear.gather [hbm4b:s10+s4], $0x80, $0x38;
	[tilespmem:$0x1C700] =	vst v63  }
0x15b: {  	p0 =	sne.s32 s8, $0x240;
	_ =	swait.ge [sflag:s24], $0x80  }
0x15c: {  	[sflag:s24] =	ssyncset.done $0x0  }
0x15d: {  	s8 =	sadd.s32 s2, s22;
	s2 =	smov.u32 s12;
	[sflag:s24] =	ssyncadd.s32 $0xFFFFFF80  }
0x15e: {  	[tilespmem:s29], [sflag:$0x3] =	stream.linear.gather [hbm4b:s8+s4], $0x80, $0x38;
	[tilespmem:$0x1C700] =	vst v63  }
0x15f: {  	_ =	swait.ge [sflag:s24], $0x80  }
0x160: {  	[sflag:s24] =	ssyncset.done $0x0  }
0x161: {  	[sflag:s24] =	ssyncadd.s32 $0xFFFFFF80  }
0x162: {  	[spmem:s3] =	stream.indirect.scatter.add.f32 [tilespmem:s26], [sflag:$0x3], $0x80, s25, s25, $0xb8;
	[tilespmem:$0x1C700] =	vst v63  }
0x163: {  	_ =	swait.ge [sflag:s24], $0x4000  }
.Ltmp2:
0x164: {  	[sflag:s24] =	ssyncset.done $0x0;
	(pc) =	sbr.rel @p0 .LBB2_6-.Ltmp2, $4  }
0x165: {  	[sflag:s24] =	ssyncadd.s32 $0xFFFFC000  }
0x166: {  	[spmem:s3] =	stream.indirect.scatter.add.f32 [tilespmem:s26], [sflag:$0x3], $0x80, s29, s25, $0xb8;
	[tilespmem:$0x1C700] =	vst v63  }
0x167: {  	_ =	swait.ge [sflag:s24], $0x4000  }
0x168: {  	s8 =	smov.u32 s14;
	[sflag:s24] =	ssyncset.done $0x0  }
0x169: {  	s8 =	sadd.s32 s2, s13;
	[sflag:s24] =	ssyncadd.s32 $0xFFFFC000  }
0x16a: {  	[tilespmem:s25], [sflag:$0x3] =	stream.linear.gather [hbm4b:s8+s4], $0x80, $0x38;
	[tilespmem:$0x1C700] =	vst v63  }
0x16b: {  	_ =	swait.ge [sflag:s24], $0x80  }
0x16c: {  	[sflag:s24] =	ssyncset.done $0x0  }
0x16d: {  	s10 =	sadd.s32 s2, s22;
	[sflag:s24] =	ssyncadd.s32 $0xFFFFFF80  }
0x16e: {  	[tilespmem:s29], [sflag:$0x3] =	stream.linear.gather [hbm4b:s10+s4], $0x80, $0x38;
	[tilespmem:$0x1C700] =	vst v63  }
0x16f: {  	_ =	swait.ge [sflag:s24], $0x80  }
0x170: {  	[sflag:s24] =	ssyncset.done $0x0  }
0x171: {  	[sflag:s24] =	ssyncadd.s32 $0xFFFFFF80  }
0x172: {  	[spmem:s3] =	stream.indirect.scatter.add.f32 [tilespmem:s26], [sflag:$0x3], $0x80, s25, s25, $0xb8;
	[tilespmem:$0x1C700] =	vst v63  }
0x173: {  	_ =	swait.ge [sflag:s24], $0x4000  }
0x174: {  	[sflag:s24] =	ssyncset.done $0x0  }
0x175: {  	[sflag:s24] =	ssyncadd.s32 $0xFFFFC000  }
0x176: {  	[spmem:s3] =	stream.indirect.scatter.add.f32 [tilespmem:s26], [sflag:$0x3], $0x80, s29, s25, $0xb8;
	[tilespmem:$0x1C700] =	vst v63  }
0x177: {  	_ =	swait.ge [sflag:s24], $0x4000  }
0x178: {  	[sflag:s24] =	ssyncset.done $0x0  }
0x179: {  	s12 =	rddreg [dreg:$0xb];
	[sflag:s24] =	ssyncadd.s32 $0xFFFFC000  }
0x17a: {  	[tilespmem:s25], [sflag:$0x3] =	stream.linear.gather [hbm4b:s12+s4], $0x80, $0x38;
	[tilespmem:$0x1C700] =	vst v63  }
0x17b: {  	_ =	swait.ge [sflag:s24], $0x80  }
0x17c: {  	[sflag:s24] =	ssyncset.done $0x0  }
0x17d: {  	[sflag:s24] =	ssyncadd.s32 $0xFFFFFF80  }
0x17e: {  	[spmem:s3] =	stream.indirect.scatter.add.f32 [tilespmem:s26], [sflag:$0x3], $0x80, s25, s25, $0xb8;
	[tilespmem:$0x1C700] =	vst v63  }
0x17f: {  	_ =	swait.ge [sflag:s24], $0x4000  }
0x180: {  	[sflag:s24] =	ssyncset.done $0x0  }
0x181: {  	s14 =	rddreg [dreg:$0x8];
	[sflag:s24] =	ssyncadd.s32 $0xFFFFC000  }
0x182: {  	[tilespmem:s9], [sflag:$0x3] =	stream.linear.gather [hbm4b:s14+s4], $0x8, $0x38;
	[tilespmem:$0x1C700] =	vst v63  }
0x183: {  	_ =	swait.ge [sflag:s24], $0x8  }
0x184: {  	[sflag:s24] =	ssyncset.done $0x0  }
0x185: {  	[sflag:s24] =	ssyncadd.s32 $0xFFFFFFF8  }
0x186: {  	[spmem:s3] =	stream.indirect.scatter.add.f32 [tilespmem:s17], [sflag:$0x3], $0x80, s9, s15, $0xb8;
	[tilespmem:$0x1C700] =	vst v63  }
0x187: {  	_ =	swait.ge [sflag:s24], $0x400  }
0x188: {  	[sflag:s24] =	ssyncset.done $0x0  }
0x189: {  	[sflag:s24] =	ssyncadd.s32 $0xFFFFFC00  }
0x18a: {  	[bflag:$0x0] =	sbarrier.arrive $0xFFFF  }
0x18b: {  	s20 =	rddreg [dreg:$0xc]  }
0x18c: {  	[hbm:s20], [sflag:s11] =	dma.local [spmem:s19], $0x2800  }
0x18d: {  	_ =	swait.ge [sflag:s24], $0x2800  }
0x18e: {  	s18 =	sadd.s32 $0x1, s18;
	s21 =	rddreg [dreg:$0xd]  }
0x18f: {  	p0 =	sne.s32 s18, s21  }
.Ltmp3:
0x190: {  	_ = 	snop;
	(pc) =	sbr.rel @p0 .LBB2_1-.Ltmp3, $3  }
0x191: {  	_ =	sdelay $0x1  }
0x192: {  	[sflag:s24] =	ssyncset.done $0x0  }
0x193: {  	[sflag:s24] =	ssyncadd.s32 $0xFFFFD800  }
0x194: {  	_ =	sfence.sel $0x180000  }
0x195: {  	[bflag:$0x0] =	sbarrier.arrive $0xFFFF  }
0x196: {  	_ =	strace $0x90000047  }
0x197: {  	s0 =	stileid.u32;
	[bflag:$0x2] =	sbarrier.arrive $0xFFFF  }
0x198: {  	p0 =	sne.s32 s0, $0x0;
	s0 =	rddreg [dreg:$0x3]  }
0x199: {  	s0 =	sadd.s32 @!p0 $0x100000, s0  }
0x19a: {  	[sflag:s0] =	ssyncadd.tile.s32 @!p0 $0x1;
	_ =	shalt  }
.Lfunc_end2:
_tile_overlayer_lowered:
.L_overlay_start_2:
0x19b: {  	(tag) =	ssettag $0x2  }
0x19c: {  	s0 =	rddreg [dreg:$0x0];
	s2 =	stileid.u32  }
0x19d: {  	s1 =	rddreg [dreg:$0x1];
	p0 =	sne.s32 s2, $0x0  }
0x19e: {  	s3 =	rddreg [dreg:$0x2];
	[bflag:$0x3] =	sbarrier.arrive $0xFFFF;
	s2 =	simm.s32 @!p0 $0x1C03  }
0x19f: {  	[timem:s3], [sflag:s2] =	dma.local @!p0 [hbm:s0], s1  }
0x1a0: {  	s0 =	simm.s32 @!p0 $0x3  }
0x1a1: {  	_ =	swait.ge @!p0 [sflag:s0], s1  }
0x1a2: {  	s1 =	ssub.s32 @!p0 $0x0, s1;
	[sflag:s0] =	ssyncset.done @!p0 $0x0  }
0x1a3: {  	[sflag:s0] =	ssyncadd.s32 @!p0 s1  }
0x1a4: {  	[bflag:$0x3] =	sbarrier.arrive $0xFFFF  }
0x1a5: {  	_ =	shalt  }

// kernel: kernel.9.cloned.1.call-start
scs
__scs_entry_jumppad:
0x0: {  	(pc) =	sbr.rel $0x88, $3  }
0x1: {  	(tag) =	ssettag $0x0;
	lr =	simm.s32 $0x1  }
0x2: {  	[smem:$0x3F99] =	sst lr;
	_ =	strace $0xD0000000  }
0x3: {  	_ = 	snop  }
0x4: {  	_ = 	snop  }
0x5: {  	_ = 	snop  }
0x6: {  	_ = 	snop  }
0x7: {  	_ = 	snop  }
__scs_overlays_trampoline_lowered:
0x8: {  	[smem:$0x3FA8] =	sst s0  }
0x9: {  	[smem:$0x3FA9] =	sst s1  }
0xa: {  	[smem:$0x3FAA] =	sst s2  }
0xb: {  	[smem:$0x3FAB] =	sst s3  }
0xc: {  	[smem:$0x3FAC] =	sst s4  }
0xd: {  	[smem:$0x3FAD] =	sst s5  }
0xe: {  	[smem:$0x3FAE] =	sst s6  }
0xf: {  	[smem:$0x3FAF] =	sst s7  }
0x10: {  	[smem:$0x3FB0] =	sst s8  }
0x11: {  	[smem:$0x3FB1] =	sst s9;
	s0 =	simm.s32 @!p0 $0x0  }
0x12: {  	s1 =	sld [smem:$0x3F97];
	s0 =	simm.s32 @p0 $0x1  }
0x13: {  	[smem:$0x3FB2] =	sst s0;
	s0 =	simm.s32 @!p1 $0x0  }
0x14: {  	s2 =	sld [smem:$0x3F96];
	s0 =	simm.s32 @p1 $0x1  }
0x15: {  	[smem:$0x3FB3] =	sst s0;
	s0 =	simm.s32 @!p2 $0x0  }
0x16: {  	s3 =	sld [smem:$0x3FDB];
	s0 =	simm.s32 @p2 $0x1  }
0x17: {  	s4 =	simm.s32 $0x1BF5;
	[smem:$0x3FB5] =	sst s0  }
0x18: {  	s0 =	sld [smem:$0x3F98];
	_ =	swait.ge [sflag:s4], $0x0  }
0x19: {  	s7 =	sld [smem:$0x3F99]  }
0x1a: {  	s8 =	sadd.s32 $0xFFFFE003, lr  }
0x1b: {  	s9 =	sadd.s32 $0xFFFFFEF7, lr;
	s5 =	simm.s32 $0xFFFFFFFF;
	p2 =	slt.u32 s8, $0xFFFFF086  }
0x1c: {  	p1 =	slt.u32 s9, $0xF7A;
	s5 =	simm.s32 @!p2 $0x0  }
0x1d: {  	s5 =	simm.s32 @p1 $0x1;
	p0 =	seq.s32 s7, s2  }
0x1e: {  	s7 =	smul.u32 @!p0 $0xF7A, s2;
	p2 =	seq.s32 @!p0 s5, $0x0  }
0x1f: {  	s9 =	smul.u32 $0xF7A, s1;
	s8 =	simm.s32 @!p0 $0x1BF5;
	p2 =	por !p2, p0  }
0x20: {  	[sflag:s8] =	ssyncset.s32 @!p0 $0xFFFFF086;
	s6 =	sadd.s32 @!p0 s3, s7;
	s7 =	simm.s32 @!p0 $0x108  }
0x21: {  	s3 =	sadd.s32 s3, s9;
	s6 =	sadd.s32 @!p0 $0x88, s6;
	s7 =	simm.s32 @p2 $0x1082  }
0x22: {  	[simem:s7], [sflag:s8] =	dma.local @!p0 [hbm:s6], $0xF7A  }
0x23: {  	s9 =	sor.u32 $0xD0000000, s2;
	s6 =	simm.s32 $0x108;
	_ =	swait.ge @!p0 [sflag:s8], $0x0  }
0x24: {  	s3 =	sadd.s32 $0x88, s3;
	s6 =	simm.s32 @!p1 $0x1082;
	[sflag:s4] =	ssyncset.s32 $0xFFFFF086  }
0x25: {  	[simem:s6], [sflag:s4] =	dma.local [hbm:s3], $0xF7A  }
0x26: {  	[smem:$0x3F99] =	sst s1;
	(tag) =	ssettag s2;
	_ =	strace s9  }
0x27: {  	s1 =	sld [smem:$0x3FA9]  }
0x28: {  	s2 =	sld [smem:$0x3FAA]  }
0x29: {  	s4 =	sld [smem:$0x3FAC]  }
0x2a: {  	p0 =	seq.s32 s5, $0x0;
	s5 =	sld [smem:$0x3FAD]  }
0x2b: {  	s6 =	sld [smem:$0x3FAE]  }
0x2c: {  	s7 =	sld [smem:$0x3FAF]  }
0x2d: {  	s3 =	simm.s32 $0x108;
	s8 =	sld [smem:$0x3FB0]  }
0x2e: {  	s3 =	simm.s32 @!p0 $0x1082;
	s9 =	sld [smem:$0x3FB1]  }
0x2f: {  	lr =	sadd.s32 s0, s3;
	s0 =	sld [smem:$0x3FA8]  }
0x30: {  	s3 =	sld [smem:$0x3FAB]  }
0x31: {  	[smem:$0x3FB4] =	sst s10  }
0x32: {  	s10 =	sld [smem:$0x3FB2];
	_ =	sdelay $0x3  }
0x33: {  	p0 =	seq.s32 s10, $0x1;
	s10 =	sld [smem:$0x3FB4];
	_ =	sdelay $0x3  }
0x34: {  	[smem:$0x3FB4] =	sst s10  }
0x35: {  	s10 =	sld [smem:$0x3FB3];
	_ =	sdelay $0x3  }
0x36: {  	p1 =	seq.s32 s10, $0x1;
	s10 =	sld [smem:$0x3FB4];
	_ =	sdelay $0x3  }
0x37: {  	[smem:$0x3FB4] =	sst s10  }
0x38: {  	s10 =	sld [smem:$0x3FB5]  }
0x39: {  	_ = 	snop;
	(pc) =	sbr.ind lr, $3  }
0x3a: {  	_ = 	snop  }
0x3b: {  	_ = 	snop  }
0x3c: {  	p2 =	seq.s32 s10, $0x1;
	s10 =	sld [smem:$0x3FB4]  }
0x3d: {  	_ =	shalt  }
0x3e: {  	_ =	shalt  }
0x3f: {  	_ =	shalt  }
0x40: {  	_ =	shalt  }
0x41: {  	_ =	shalt  }
0x42: {  	_ =	shalt  }
0x43: {  	_ =	shalt  }
0x44: {  	_ =	shalt  }
0x45: {  	_ =	shalt  }
0x46: {  	_ =	shalt  }
0x47: {  	_ =	shalt  }
0x48: {  	_ =	shalt  }
0x49: {  	_ =	shalt  }
0x4a: {  	_ =	shalt  }
0x4b: {  	_ =	shalt  }
0x4c: {  	_ =	shalt  }
0x4d: {  	_ =	shalt  }
0x4e: {  	_ =	shalt  }
0x4f: {  	_ =	shalt  }
0x50: {  	_ =	shalt  }
0x51: {  	_ =	shalt  }
0x52: {  	_ =	shalt  }
0x53: {  	_ =	shalt  }
0x54: {  	_ =	shalt  }
0x55: {  	_ =	shalt  }
0x56: {  	_ =	shalt  }
0x57: {  	_ =	shalt  }
0x58: {  	_ =	shalt  }
0x59: {  	_ =	shalt  }
0x5a: {  	_ =	shalt  }
0x5b: {  	_ =	shalt  }
0x5c: {  	_ =	shalt  }
0x5d: {  	_ =	shalt  }
0x5e: {  	_ =	shalt  }
0x5f: {  	_ =	shalt  }
0x60: {  	_ =	shalt  }
0x61: {  	_ =	shalt  }
0x62: {  	_ =	shalt  }
0x63: {  	_ =	shalt  }
0x64: {  	_ =	shalt  }
0x65: {  	_ =	shalt  }
0x66: {  	_ =	shalt  }
0x67: {  	_ =	shalt  }
0x68: {  	_ =	shalt  }
0x69: {  	_ =	shalt  }
0x6a: {  	_ =	shalt  }
0x6b: {  	_ =	shalt  }
0x6c: {  	_ =	shalt  }
0x6d: {  	_ =	shalt  }
0x6e: {  	_ =	shalt  }
0x6f: {  	_ =	shalt  }
0x70: {  	_ =	shalt  }
0x71: {  	_ =	shalt  }
0x72: {  	_ =	shalt  }
0x73: {  	_ =	shalt  }
0x74: {  	_ =	shalt  }
0x75: {  	_ =	shalt  }
0x76: {  	_ =	shalt  }
0x77: {  	_ =	shalt  }
0x78: {  	_ =	shalt  }
0x79: {  	_ =	shalt  }
0x7a: {  	_ =	shalt  }
0x7b: {  	_ =	shalt  }
0x7c: {  	_ =	shalt  }
0x7d: {  	_ =	shalt  }
0x7e: {  	_ =	shalt  }
0x7f: {  	_ =	shalt  }
0x80: {  	_ =	shalt  }
0x81: {  	_ =	shalt  }
0x82: {  	_ =	shalt  }
0x83: {  	_ =	shalt  }
0x84: {  	_ =	shalt  }
0x85: {  	_ =	shalt  }
0x86: {  	_ =	shalt  }
0x87: {  	_ =	shalt  }
.Lfunc_end0:
.L_simem_size_0:
called_computation.1_lowered:
.L_overlay_start_0:
0x88: {  	s2 =	sld [smem:$0x3FD9]  }
0x89: {  	s3 =	sld [smem:$0x3FFE];
	_ =	sdelay $0x1  }
0x8a: {  	s1 =	srdreg.scid  }
0x8b: {  	s0 =	sand.u32 $0x1, s1  }
0x8c: {  	s17 =	sshll.u32 s0, $0xA;
	s2 =	sadd.s32 s3, s2  }
0x8d: {  	s2 =	sadd.s32 s2, s17  }
0x8e: {  	[smem:$0x3FC0] =	sst s2  }
0x8f: {  	_ = 	snop  }
0x90: {  	s2 =	sld [smem:$0x3FD0];
	(tm) =	ssettm $0x1  }
0x91: {  	s18 =	sld [smem:$0x3FFB];
	_ =	sdelay $0x3  }
0x92: {  	_ =	strace s18  }
0x93: {  	s3 =	sld [smem:$0x3FFC];
	_ =	sdelay $0x3  }
0x94: {  	_ =	strace s3  }
0x95: {  	s3 =	sld [smem:$0x3FFD];
	_ =	sdelay $0x3  }
0x96: {  	_ =	strace s3  }
0x97: {  	_ =	strace $0x8FFFFFFF  }
0x98: {  	s19 =	sld [smem:$0x3FDB];
	_ =	sdelay $0x1  }
0x99: {  	s4 =	simm.s32 $_scs_section_size  }
0x9a: {  	s5 =	simm.s32 $_size__tile_overlayer_lowered;
	s6 =	simm.s32 $_tile_overlayer_lowered  }
0x9b: {  	s22 =	simm.s32 $0x1BFF;
	s21 =	sshll.u32 s6, $0x1;
	s3 =	sadd.s32 s4, s19  }
0x9c: {  	s7 =	simm.s32 $0x0;
	s20 =	sshll.u32 s5, $0x1;
	s5 =	sadd.s32 s21, s3  }
0x9d: {  	[timem:s7], [sflag:s22] =	dma.local [hbm:s5], s20  }
0x9e: {  	_ =	swait.ge [sflag:s22], s20  }
0x9f: {  	s4 =	ssub.s32 $0x0, s20;
	[sflag:s22] =	ssyncset.done $0x0  }
0xa0: {  	[sflag:s22] =	ssyncadd.s32 s4;
	_ =	sdelay $0x1  }
0xa1: {  	s23 =	simm.s32 $0x1B8B  }
0xa2: {  	_ =	swait.ge [sflag:s23], $0x1  }
0xa3: {  	[sflag:s23] =	ssyncset.done $0x0  }
0xa4: {  	s25 =	simm.s32 $0x1B8E;
	s24 =	sld [smem:$0x3FFE];
	[sflag:s23] =	ssyncadd.s32 $0xFFFFFFFF  }
0xa5: {  	s26 =	simm.s32 $execute0_lowered;
	[smem:$0x3FD2] =	sst s25  }
0xa6: {  	s5 =	sshll.u32 s26, $0x1;
	_ =	strace $0x80000049;
	[dreg:$0x1] =	wrdreg $0xFFFFFFFF  }
0xa7: {  	s28 =	simm.s32 $_size_execute0_lowered;
	s3 =	sadd.s32 s3, s5;
	[dreg:$0x0] =	wrdreg $0x0  }
0xa8: {  	s5 =	sshll.u32 s28, $0x1;
	[dreg:$0x2] =	wrdreg s3  }
0xa9: {  	[dreg:$0x3] =	wrdreg s5  }
0xaa: {  	[dreg:$0x4] =	wrdreg $0xC0  }
0xab: {  	_ =	task [dreg:s7], $0x5FFFF  }
0xac: {  	[dreg:$0x1] =	wrdreg $0xFFFFFFFF  }
0xad: {  	[dreg:$0x0] =	wrdreg $0x60  }
0xae: {  	[dreg:$0x2] =	wrdreg s2  }
0xaf: {  	[dreg:$0x3] =	wrdreg s24  }
0xb0: {  	[dreg:$0x4] =	wrdreg $0x87000  }
0xb1: {  	[dreg:$0x5] =	wrdreg $0x9  }
0xb2: {  	_ =	task.clear_ibuf [dreg:s7], $0x6FFFF;
	_ =	strace $0x90000049  }
0xb3: {  	s29 =	simm.s32 $0x9;
	_ =	strace $0x8000004B  }
0xb4: {  	_ =	swait.ge [sflag:s29], $0x1  }
0xb5: {  	[sflag:s29] =	ssyncadd.s32 $0xFFFFFFFF  }
0xb6: {  	_ =	strace $0x9000004B  }
0xb7: {  	_ =	sfence  }
0xb8: {  	s30 =	sld [smem:$0x0];
	_ =	sdelay $0x2  }
0xb9: {  	s31 =	sshll.u32 s1, $0xD;
	s1 =	sshrl.u32 s1, $0x2  }
0xba: {  	s3 =	sand.u32 $0x4000, s31;
	s1 =	sadd.s32 s1, s30  }
0xbb: {  	s0 =	sor.u32 s3, s0;
	s1 =	sshll.u32 s1, $0x11  }
0xbc: {  	s0 =	sor.u32 s1, s0  }
0xbd: {  	s0 =	sadd.s32 $0x8F2B, s0  }
0xbe: {  	[sflag:s0] =	ssyncadd.remote.s32 $0x1  }
0xbf: {  	_ =	sfence.sel $0xFFFF  }
0xc0: {  	[dreg:$0x0] =	wrdreg $0xFFFFFFFF;
	(pc) =	sbr.abs _section_cstart, $3  }
0xc1: {  	[dreg:$0x1] =	wrdreg $0xFFFFFFFF  }
0xc2: {  	_ =	task.clear_ibuf [dreg:s7], $0x2FFFF;
	_ =	strace $0x9FFFFFFF  }
0xc3: {  	(tm) =	ssettm $0x7FFFFFFF  }
tec
execute0_lowered:
.L_overlay_start_1:
0x0: {  	(tag) =	ssettag $0x1  }
0x1: {  	s1 =	rddreg [dreg:$0x0]  }
0x2: {  	s0 =	rddreg [dreg:$0x1]  }
0x3: {  	s3 =	rddreg [dreg:$0x2];
	s4 =	simm.s32 $0x0;
	s12 =	stileid.u32  }
0x4: {  	s2 =	srdreg.scid;
	s28 =	simm.s32 $0x200;
	s29 =	simm.s32 $0x280  }
0x5: {  	s30 =	simm.s32 $0x8;
	s31 =	simm.s32 $0x8300;
	s7 =	smul.u32 $0x14000, s12  }
0x6: {  	[smem:$0x7FF] =	sst s4;
	s2 =	sand.u32 $0x1, s2;
	s10 =	smul.u32 $0x50000, s12  }
0x7: {  	s5 =	sadd.s32 $0x7400, s0;
	s6 =	sadd.s32 $0x2400, s0;
	s11 =	smul.u32 $0x1388, s12  }
0x8: {  	s19 =	sshll.u32 s12, $0x6;
	_ =	strace $0x8000004A;
	s8 =	smul.u32 $0x140000, s2  }
0x9: {  	s15 =	smul.u32 $0x13880, s2;
	s2 =	ssub.s32 $0x2, s2;
	s9 =	sshrl.u32 s7, $0x3  }
0xa: {  	s16 =	sshrl.u32 s2, $0x1;
	s10 =	sshrl.u32 s10, $0x2;
	s9 =	sadd.s32 s9, s0  }
0xb: {  	s7 =	sadd.s32 s7, s8;
	s2 =	ssub.s32 s2, s16;
	s17 =	sadd.s32 s11, s15  }
0xc: {  	s8 =	sor.u32 $0x1C03, s19;
	s19 =	simm.s32 $0x3;
	s7 =	sshrl.u32 s7, $0x3  }
0xd: {  	s18 =	sadd.s32 $0x33E00, s9;
	s20 =	sshrl.u32 s17, $0x3;
	s24 =	sadd.s32 $0x80, s17  }
0xe: {  	s14 =	smax.u32 s2, $0x1;
	s15 =	sadd.s32 $0x100, s17;
	s0 =	sadd.s32 s7, s0  }
0xf: {  	s7 =	sadd.s32 s10, s3;
	[dreg:$0x4] =	wrdreg s18;
	s21 =	sadd.s32 s5, s20  }
0x10: {  	s22 =	sadd.s32 $0x270, s20;
	s9 =	sadd.s32 s6, s20;
	s26 =	sshrl.u32 s24, $0x3  }
0x11: {  	s20 =	simm.s32 $0x80;
	s24 =	simm.s32 $0x4300;
	[dreg:$0x5] =	wrdreg s21  }
0x12: {  	[dreg:$0x6] =	wrdreg s9;
	s23 =	sadd.s32 s5, s22;
	s25 =	sadd.s32 s6, s22  }
0x13: {  	s13 =	sadd.s32 $0x5BE00, s0;
	s16 =	sadd.s32 s26, s6;
	s17 =	sadd.s32 s26, s5  }
0x14: {  	s18 =	sshrl.u32 s7, $0x3;
	s21 =	simm.s32 $0x300;
	s22 =	simm.s32 $0x100  }
0x15: {  	s26 =	simm.s32 $0x2;
	s0 =	simm.s32 $0x0;
	[dreg:$0x7] =	wrdreg s23  }
0x16: {  	[dreg:$0x8] =	wrdreg s25;
	s23 =	simm.s32 $0x180;
	s25 =	simm.s32 $0x1  }
.LBB2_1:
0x17: {  	s2 =	rddreg [dreg:$0x4]  }
0x18: {  	[spmem:s18], [sflag:s8] =	dma.local [hbm:s2], $0x2800  }
0x19: {  	_ =	swait.ge [sflag:s19], $0x2800  }
0x1a: {  	[sflag:s19] =	ssyncset.done $0x0  }
0x1b: {  	[sflag:s19] =	ssyncadd.s32 $0xFFFFD800  }
0x1c: {  	[bflag:$0x0] =	sbarrier.arrive $0xFFFF  }
0x1d: {  	s7 =	rddreg [dreg:$0x5]  }
0x1e: {  	[tilespmem:s4], [sflag:$0x3] =	stream.linear.gather [hbm4b:s7+s4], $0x80, $0x38;
	[tilespmem:$0x1C700] =	vst v63  }
0x1f: {  	_ =	swait.ge [sflag:s19], $0x80  }
0x20: {  	[sflag:s19] =	ssyncset.done $0x0  }
0x21: {  	s9 =	rddreg [dreg:$0x6];
	[sflag:s19] =	ssyncadd.s32 $0xFFFFFF80  }
0x22: {  	[tilespmem:s20], [sflag:$0x3] =	stream.linear.gather [hbm4b:s9+s4], $0x80, $0x38;
	[tilespmem:$0x1C700] =	vst v63  }
0x23: {  	_ =	swait.ge [sflag:s19], $0x80  }
0x24: {  	[sflag:s19] =	ssyncset.done $0x0  }
0x25: {  	[sflag:s19] =	ssyncadd.s32 $0xFFFFFF80  }
0x26: {  	[tilespmem:s21], [sflag:$0x1] =	stream.indirect.gather [hbm4b:s1+s20], $0x80, s4, s20, $0xb8;
	[tilespmem:$0x1C700] =	vst v63  }
0x27: {  	s10 =	sadd.s32 $0x0, s17  }
0x28: {  	[tilespmem:s22], [sflag:$0x3] =	stream.linear.gather [hbm4b:s10+s4], $0x80, $0x38;
	[tilespmem:$0x1C700] =	vst v63  }
0x29: {  	_ =	swait.ge [sflag:s19], $0x80  }
0x2a: {  	[sflag:s19] =	ssyncset.done $0x0  }
0x2b: {  	s11 =	sadd.s32 $0x0, s16;
	[sflag:s19] =	ssyncadd.s32 $0xFFFFFF80  }
0x2c: {  	[tilespmem:s23], [sflag:$0x3] =	stream.linear.gather [hbm4b:s11+s4], $0x80, $0x38;
	[tilespmem:$0x1C700] =	vst v63  }
0x2d: {  	_ =	swait.ge [sflag:s19], $0x80  }
0x2e: {  	[sflag:s19] =	ssyncset.done $0x0  }
0x2f: {  	[sflag:s19] =	ssyncadd.s32 $0xFFFFFF80  }
0x30: {  	[tilespmem:s24], [sflag:$0x2] =	stream.indirect.gather [hbm4b:s1+s20], $0x80, s22, s20, $0xb8;
	[tilespmem:$0x1C700] =	vst v63  }
0x31: {  	_ =	swait.ge [sflag:s25], $0x4000  }
0x32: {  	[sflag:s25] =	ssyncset.done $0x0  }
0x33: {  	[sflag:s25] =	ssyncadd.s32 $0xFFFFC000  }
0x34: {  	[spmem:s3] =	stream.indirect.scatter.add.f32 [tilespmem:s21], [sflag:$0x3], $0x80, s20, s20, $0xb8;
	[tilespmem:$0x1C700] =	vst v63  }
0x35: {  	_ =	swait.ge [sflag:s19], $0x4000  }
0x36: {  	s12 =	sshrl.u32 s15, $0x3;
	[sflag:s19] =	ssyncset.done $0x0  }
0x37: {  	s7 =	sadd.s32 s5, s12;
	[sflag:s19] =	ssyncadd.s32 $0xFFFFC000  }
0x38: {  	[tilespmem:s4], [sflag:$0x3] =	stream.linear.gather [hbm4b:s7+s4], $0x80, $0x38;
	[tilespmem:$0x1C700] =	vst v63  }
0x39: {  	_ =	swait.ge [sflag:s19], $0x80  }
0x3a: {  	[sflag:s19] =	ssyncset.done $0x0  }
0x3b: {  	s2 =	sadd.s32 s6, s12;
	[sflag:s19] =	ssyncadd.s32 $0xFFFFFF80  }
0x3c: {  	[tilespmem:s20], [sflag:$0x3] =	stream.linear.gather [hbm4b:s2+s4], $0x80, $0x38;
	[tilespmem:$0x1C700] =	vst v63  }
0x3d: {  	_ =	swait.ge [sflag:s19], $0x80  }
0x3e: {  	[sflag:s19] =	ssyncset.done $0x0  }
0x3f: {  	[sflag:s19] =	ssyncadd.s32 $0xFFFFFF80  }
0x40: {  	[tilespmem:s21], [sflag:$0x1] =	stream.indirect.gather [hbm4b:s1+s20], $0x80, s4, s20, $0xb8;
	[tilespmem:$0x1C700] =	vst v63  }
0x41: {  	_ =	swait.ge [sflag:s26], $0x4000  }
0x42: {  	[sflag:s26] =	ssyncset.done $0x0  }
0x43: {  	[sflag:s26] =	ssyncadd.s32 $0xFFFFC000  }
0x44: {  	[spmem:s3] =	stream.indirect.scatter.add.f32 [tilespmem:s24], [sflag:$0x3], $0x80, s23, s20, $0xb8;
	[tilespmem:$0x1C700] =	vst v63  }
0x45: {  	s9 =	simm.s32 $0x40;
	_ =	swait.ge [sflag:s19], $0x4000  }
0x46: {  	s7 =	simm.s32 $0x20;
	s2 =	sadd.s32 $0x100, s15;
	[sflag:s19] =	ssyncset.done $0x0  }
.LBB2_2:
0x47: {  	s11 =	sadd.s32 s7, s17  }
0x48: {  	[sflag:s19] =	ssyncadd.s32 $0xFFFFC000;
	s12 =	smov.u32 s9;
	s10 =	sadd.s32 $0x20, s9  }
0x49: {  	[tilespmem:s22], [sflag:$0x3] =	stream.linear.gather [hbm4b:s11+s4], $0x80, $0x38;
	[tilespmem:$0x1C700] =	vst v63  }
0x4a: {  	p0 =	sne.s32 s9, $0x240;
	_ =	swait.ge [sflag:s19], $0x80  }
0x4b: {  	[sflag:s19] =	ssyncset.done $0x0  }
0x4c: {  	s9 =	sadd.s32 s7, s16;
	s7 =	smov.u32 s12;
	[sflag:s19] =	ssyncadd.s32 $0xFFFFFF80  }
0x4d: {  	[tilespmem:s23], [sflag:$0x3] =	stream.linear.gather [hbm4b:s9+s4], $0x80, $0x38;
	[tilespmem:$0x1C700] =	vst v63  }
0x4e: {  	_ =	swait.ge [sflag:s19], $0x80  }
0x4f: {  	[sflag:s19] =	ssyncset.done $0x0  }
0x50: {  	[sflag:s19] =	ssyncadd.s32 $0xFFFFFF80  }
0x51: {  	[tilespmem:s24], [sflag:$0x2] =	stream.indirect.gather [hbm4b:s1+s20], $0x80, s22, s20, $0xb8;
	[tilespmem:$0x1C700] =	vst v63  }
0x52: {  	_ =	swait.ge [sflag:s25], $0x4000  }
0x53: {  	[sflag:s25] =	ssyncset.done $0x0  }
0x54: {  	[sflag:s25] =	ssyncadd.s32 $0xFFFFC000  }
0x55: {  	[spmem:s3] =	stream.indirect.scatter.add.f32 [tilespmem:s21], [sflag:$0x3], $0x80, s20, s20, $0xb8;
	[tilespmem:$0x1C700] =	vst v63  }
0x56: {  	_ =	swait.ge [sflag:s19], $0x4000  }
0x57: {  	s9 =	sshrl.u32 s2, $0x3;
	[sflag:s19] =	ssyncset.done $0x0  }
0x58: {  	s11 =	sadd.s32 s5, s9;
	[sflag:s19] =	ssyncadd.s32 $0xFFFFC000  }
0x59: {  	[tilespmem:s4], [sflag:$0x3] =	stream.linear.gather [hbm4b:s11+s4], $0x80, $0x38;
	[tilespmem:$0x1C700] =	vst v63  }
0x5a: {  	_ =	swait.ge [sflag:s19], $0x80  }
0x5b: {  	[sflag:s19] =	ssyncset.done $0x0  }
0x5c: {  	s9 =	sadd.s32 s6, s9;
	[sflag:s19] =	ssyncadd.s32 $0xFFFFFF80  }
0x5d: {  	[tilespmem:s20], [sflag:$0x3] =	stream.linear.gather [hbm4b:s9+s4], $0x80, $0x38;
	[tilespmem:$0x1C700] =	vst v63  }
0x5e: {  	_ =	swait.ge [sflag:s19], $0x80  }
0x5f: {  	[sflag:s19] =	ssyncset.done $0x0  }
0x60: {  	[sflag:s19] =	ssyncadd.s32 $0xFFFFFF80  }
0x61: {  	[tilespmem:s21], [sflag:$0x1] =	stream.indirect.gather [hbm4b:s1+s20], $0x80, s4, s20, $0xb8;
	[tilespmem:$0x1C700] =	vst v63  }
0x62: {  	_ =	swait.ge [sflag:s26], $0x4000  }
.Ltmp0:
0x63: {  	[sflag:s26] =	ssyncset.done $0x0;
	(pc) =	sbr.rel @p0 .LBB2_2-.Ltmp0, $4  }
0x64: {  	[sflag:s26] =	ssyncadd.s32 $0xFFFFC000  }
0x65: {  	[spmem:s3] =	stream.indirect.scatter.add.f32 [tilespmem:s24], [sflag:$0x3], $0x80, s23, s20, $0xb8;
	[tilespmem:$0x1C700] =	vst v63  }
0x66: {  	_ =	swait.ge [sflag:s19], $0x4000  }
0x67: {  	s2 =	sadd.s32 $0x100, s2;
	s9 =	smov.u32 s10;
	[sflag:s19] =	ssyncset.done $0x0  }
0x68: {  	s9 =	sadd.s32 s7, s17;
	[sflag:s19] =	ssyncadd.s32 $0xFFFFC000  }
0x69: {  	[tilespmem:s22], [sflag:$0x3] =	stream.linear.gather [hbm4b:s9+s4], $0x80, $0x38;
	[tilespmem:$0x1C700] =	vst v63  }
0x6a: {  	_ =	swait.ge [sflag:s19], $0x80  }
0x6b: {  	[sflag:s19] =	ssyncset.done $0x0  }
0x6c: {  	s9 =	sadd.s32 s7, s16;
	[sflag:s19] =	ssyncadd.s32 $0xFFFFFF80  }
0x6d: {  	[tilespmem:s23], [sflag:$0x3] =	stream.linear.gather [hbm4b:s9+s4], $0x80, $0x38;
	[tilespmem:$0x1C700] =	vst v63  }
0x6e: {  	_ =	swait.ge [sflag:s19], $0x80  }
0x6f: {  	[sflag:s19] =	ssyncset.done $0x0  }
0x70: {  	[sflag:s19] =	ssyncadd.s32 $0xFFFFFF80  }
0x71: {  	[tilespmem:s24], [sflag:$0x2] =	stream.indirect.gather [hbm4b:s1+s20], $0x80, s22, s20, $0xb8;
	[tilespmem:$0x1C700] =	vst v63  }
0x72: {  	_ =	swait.ge [sflag:s25], $0x4000  }
0x73: {  	[sflag:s25] =	ssyncset.done $0x0  }
0x74: {  	[sflag:s25] =	ssyncadd.s32 $0xFFFFC000  }
0x75: {  	[spmem:s3] =	stream.indirect.scatter.add.f32 [tilespmem:s21], [sflag:$0x3], $0x80, s20, s20, $0xb8;
	[tilespmem:$0x1C700] =	vst v63  }
0x76: {  	_ =	swait.ge [sflag:s19], $0x4000  }
0x77: {  	s2 =	sshrl.u32 s2, $0x3;
	[sflag:s19] =	ssyncset.done $0x0  }
0x78: {  	s10 =	sadd.s32 s5, s2;
	[sflag:s19] =	ssyncadd.s32 $0xFFFFC000  }
0x79: {  	[tilespmem:s4], [sflag:$0x3] =	stream.linear.gather [hbm4b:s10+s4], $0x80, $0x38;
	[tilespmem:$0x1C700] =	vst v63  }
0x7a: {  	_ =	swait.ge [sflag:s19], $0x80  }
0x7b: {  	[sflag:s19] =	ssyncset.done $0x0  }
0x7c: {  	s2 =	sadd.s32 s6, s2;
	[sflag:s19] =	ssyncadd.s32 $0xFFFFFF80  }
0x7d: {  	[tilespmem:s20], [sflag:$0x3] =	stream.linear.gather [hbm4b:s2+s4], $0x80, $0x38;
	[tilespmem:$0x1C700] =	vst v63  }
0x7e: {  	_ =	swait.ge [sflag:s19], $0x80  }
0x7f: {  	[sflag:s19] =	ssyncset.done $0x0  }
0x80: {  	[sflag:s19] =	ssyncadd.s32 $0xFFFFFF80  }
0x81: {  	[tilespmem:s21], [sflag:$0x1] =	stream.indirect.gather [hbm4b:s1+s20], $0x80, s4, s20, $0xb8;
	[tilespmem:$0x1C700] =	vst v63  }
0x82: {  	_ =	swait.ge [sflag:s26], $0x4000  }
0x83: {  	[sflag:s26] =	ssyncset.done $0x0  }
0x84: {  	[sflag:s26] =	ssyncadd.s32 $0xFFFFC000  }
0x85: {  	[spmem:s3] =	stream.indirect.scatter.add.f32 [tilespmem:s24], [sflag:$0x3], $0x80, s23, s20, $0xb8;
	[tilespmem:$0x1C700] =	vst v63  }
0x86: {  	_ =	swait.ge [sflag:s19], $0x4000  }
0x87: {  	[sflag:s19] =	ssyncset.done $0x0  }
0x88: {  	[sflag:s19] =	ssyncadd.s32 $0xFFFFC000  }
0x89: {  	_ =	swait.ge [sflag:s25], $0x4000  }
0x8a: {  	[sflag:s25] =	ssyncset.done $0x0  }
0x8b: {  	[sflag:s25] =	ssyncadd.s32 $0xFFFFC000  }
0x8c: {  	[spmem:s3] =	stream.indirect.scatter.add.f32 [tilespmem:s21], [sflag:$0x3], $0x80, s20, s20, $0xb8;
	[tilespmem:$0x1C700] =	vst v63  }
0x8d: {  	_ =	swait.ge [sflag:s19], $0x4000  }
0x8e: {  	[sflag:s19] =	ssyncset.done $0x0  }
0x8f: {  	s11 =	rddreg [dreg:$0x7];
	[sflag:s19] =	ssyncadd.s32 $0xFFFFC000  }
0x90: {  	[tilespmem:s28], [sflag:$0x3] =	stream.linear.gather [hbm4b:s11+s4], $0x8, $0x38;
	[tilespmem:$0x1C700] =	vst v63  }
0x91: {  	_ =	swait.ge [sflag:s19], $0x8  }
0x92: {  	[sflag:s19] =	ssyncset.done $0x0  }
0x93: {  	s12 =	rddreg [dreg:$0x8];
	[sflag:s19] =	ssyncadd.s32 $0xFFFFFFF8  }
0x94: {  	[tilespmem:s29], [sflag:$0x3] =	stream.linear.gather [hbm4b:s12+s4], $0x8, $0x38;
	[tilespmem:$0x1C700] =	vst v63  }
0x95: {  	_ =	swait.ge [sflag:s19], $0x8  }
0x96: {  	[sflag:s19] =	ssyncset.done $0x0  }
0x97: {  	[sflag:s19] =	ssyncadd.s32 $0xFFFFFFF8  }
0x98: {  	[tilespmem:s31], [sflag:$0x1] =	stream.indirect.gather [hbm4b:s1+s30], $0x80, s28, s30, $0xb8;
	[tilespmem:$0x1C700] =	vst v63  }
0x99: {  	_ =	swait.ge [sflag:s25], $0x400  }
0x9a: {  	[sflag:s25] =	ssyncset.done $0x0  }
0x9b: {  	[sflag:s25] =	ssyncadd.s32 $0xFFFFFC00  }
0x9c: {  	[spmem:s3] =	stream.indirect.scatter.add.f32 [tilespmem:s31], [sflag:$0x3], $0x80, s29, s30, $0xb8;
	[tilespmem:$0x1C700] =	vst v63  }
0x9d: {  	_ =	swait.ge [sflag:s19], $0x400  }
0x9e: {  	s0 =	sadd.s32 $0x1, s0;
	[sflag:s19] =	ssyncset.done $0x0  }
0x9f: {  	p0 =	sne.s32 s0, s14;
	[sflag:s19] =	ssyncadd.s32 $0xFFFFFC00  }
.Ltmp1:
0xa0: {  	[bflag:$0x0] =	sbarrier.arrive $0xFFFF;
	(pc) =	sbr.rel @p0 .LBB2_1-.Ltmp1, $4  }
0xa1: {  	[hbm:s13], [sflag:s8] =	dma.local [spmem:s18], $0x2800  }
0xa2: {  	_ =	swait.ge [sflag:s19], $0x2800  }
0xa3: {  	[sflag:s19] =	ssyncset.done $0x0  }
0xa4: {  	[sflag:s19] =	ssyncadd.s32 $0xFFFFD800  }
0xa5: {  	_ =	sfence.sel $0x180000  }
0xa6: {  	[bflag:$0x0] =	sbarrier.arrive $0xFFFF  }
0xa7: {  	_ =	strace $0x9000004A  }
0xa8: {  	s0 =	stileid.u32;
	[bflag:$0x2] =	sbarrier.arrive $0xFFFF  }
0xa9: {  	p0 =	sne.s32 s0, $0x0;
	s0 =	rddreg [dreg:$0x3]  }
0xaa: {  	s0 =	sadd.s32 @!p0 $0x100000, s0  }
0xab: {  	[sflag:s0] =	ssyncadd.tile.s32 @!p0 $0x1;
	_ =	shalt  }
.Lfunc_end2:
_tile_overlayer_lowered:
.L_overlay_start_2:
0xac: {  	(tag) =	ssettag $0x2  }
0xad: {  	s0 =	rddreg [dreg:$0x0];
	s2 =	stileid.u32  }
0xae: {  	s1 =	rddreg [dreg:$0x1];
	p0 =	sne.s32 s2, $0x0  }
0xaf: {  	s3 =	rddreg [dreg:$0x2];
	[bflag:$0x3] =	sbarrier.arrive $0xFFFF;
	s2 =	simm.s32 @!p0 $0x1C03  }
0xb0: {  	[timem:s3], [sflag:s2] =	dma.local @!p0 [hbm:s0], s1  }
0xb1: {  	s0 =	simm.s32 @!p0 $0x3  }
0xb2: {  	_ =	swait.ge @!p0 [sflag:s0], s1  }
0xb3: {  	s1 =	ssub.s32 @!p0 $0x0, s1;
	[sflag:s0] =	ssyncset.done @!p0 $0x0  }
0xb4: {  	[sflag:s0] =	ssyncadd.s32 @!p0 s1  }
0xb5: {  	[bflag:$0x3] =	sbarrier.arrive $0xFFFF  }
0xb6: {  	_ =	shalt  }

</sc_bundles>
